<compile_context>
chip_gen: v7x
topology: tpu7x:2x2x1
jax: 0.10.2.dev20260603
libtpu: 0.0.44.dev20260713+nightly
codegen_flags: <defaults>
</compile_context>

<pallas_src>
import functools

import jax
import jax.numpy as jnp
from jax import lax
from jax.experimental import pallas as pl
from jax.experimental.pallas import tpu as pltpu
from jax.experimental.pallas import tpu_sc as plsc

N = 10000
E = 320000
D = 128
NPAD = 10016
NSUB = 16
CHUNK = 192
NCH = 52
TAIL = 16
EPT = E // 32
EPS = E // NSUB
ROWS_OUT = NPAD // 4


def _sc_mesh():
    return plsc.VectorSubcoreMesh(core_axis_name="c", subcore_axis_name="s")


@functools.partial(
    pl.kernel,
    out_type=(jax.ShapeDtypeStruct((NPAD,), jnp.float32),
              jax.ShapeDtypeStruct((NPAD,), jnp.float32)),
    mesh=_sc_mesh(),
    scratch_types=[
        pltpu.VMEM((EPS,), jnp.int32),
        pltpu.VMEM((EPS,), jnp.float32),
        pltpu.VMEM((NPAD,), jnp.float32),
        pltpu.VMEM_SHARED((NPAD,), jnp.float32),
    ],
)
def _deg_kernel(edges, dsrc_out, ddst_out, idx_v, ones_v, zbuf, sdeg):
    c = lax.axis_index("c")
    s = lax.axis_index("s")
    off = pl.multiple_of(c * E + s * EPS, 8)
    pltpu.sync_copy(edges.at[pl.ds(off, EPS)], idx_v)

    def ob(i, carry):
        ones_v[pl.ds(i * 16, 16)] = jnp.ones((16,), jnp.float32)
        return carry
    lax.fori_loop(0, EPS // 16, ob, 0)

    @pl.when(s == 0)
    def _():
        def zb(i, carry):
            zbuf[pl.ds(i * 16, 16)] = jnp.zeros((16,), jnp.float32)
            return carry
        lax.fori_loop(0, NPAD // 16, zb, 0)
        pltpu.sync_copy(zbuf, sdeg)

    plsc.subcore_barrier()
    pltpu.sync_copy(ones_v, sdeg.at[idx_v], add=True)
    plsc.subcore_barrier()

    @pl.when(s == 0)
    def _():
        @pl.when(c == 0)
        def _():
            pltpu.sync_copy(sdeg, dsrc_out)

        @pl.when(c == 1)
        def _():
            pltpu.sync_copy(sdeg, ddst_out)


def _scale_body(x_ref, dsrc_ref, h_ref):
    ns = lax.rsqrt(jnp.maximum(dsrc_ref[...], 1.0))[:, None]
    h_ref[...] = x_ref[...] * ns[:N]


@functools.partial(
    pl.kernel,
    out_type=(jax.ShapeDtypeStruct((NPAD, D), jnp.float32),
              jax.ShapeDtypeStruct((NPAD, D), jnp.float32)),
    mesh=_sc_mesh(),
    scratch_types=[
        [pltpu.VMEM((CHUNK,), jnp.int32)] * 2,
        [pltpu.VMEM((CHUNK,), jnp.int32)] * 2,
        [pltpu.VMEM((TAIL,), jnp.int32)] * 2,
        [pltpu.VMEM((CHUNK, D), jnp.float32)] * 2,
        pltpu.VMEM_SHARED((NPAD, D), jnp.float32),
        [pltpu.SemaphoreType.DMA] * 2,
        [pltpu.SemaphoreType.DMA] * 2,
    ],
)
def _agg_kernel(edges, h, part0, part1,
                isrc, idst, itail, rows, sagg, isem, gsem):
    c = lax.axis_index("c")
    s = lax.axis_index("s")
    w = c * NSUB + s
    base = w * EPT

    def zrow(i, carry):
        for k in range(D // 16):
            rows[0][i, pl.ds(k * 16, 16)] = jnp.zeros((16,), jnp.float32)
        return carry
    lax.fori_loop(0, 160, zrow, 0)

    @pl.when(s < 15)
    def _():
        zoff = pl.multiple_of(s * 632, 8)
        for t, sz in ((0, 160), (160, 160), (320, 160), (480, 152)):
            pltpu.sync_copy(rows[0].at[pl.ds(0, sz)],
                            sagg.at[pl.ds(zoff + t, sz)])

    @pl.when(s == 15)
    def _():
        for t, sz in ((0, 160), (160, 160), (320, 160), (480, 56)):
            pltpu.sync_copy(rows[0].at[pl.ds(0, sz)],
                            sagg.at[pl.ds(15 * 632 + t, sz)])

    def load_idx(j, p, sync=False):
        soff = pl.multiple_of(base + j * CHUNK, 8)
        doff = pl.multiple_of(E + base + j * CHUNK, 8)
        if sync:
            pltpu.sync_copy(edges.at[pl.ds(soff, CHUNK)], isrc[p])
            pltpu.sync_copy(edges.at[pl.ds(doff, CHUNK)], idst[p])
        else:
            pltpu.async_copy(edges.at[pl.ds(soff, CHUNK)], isrc[p], isem[p])
            pltpu.async_copy(edges.at[pl.ds(doff, CHUNK)], idst[p], isem[p])

    def wait_idx(j, p):
        soff = pl.multiple_of(base + j * CHUNK, 8)
        doff = pl.multiple_of(E + base + j * CHUNK, 8)
        pltpu.make_async_copy(edges.at[pl.ds(soff, CHUNK)], isrc[p],
                              isem[p]).wait()
        pltpu.make_async_copy(edges.at[pl.ds(doff, CHUNK)], idst[p],
                              isem[p]).wait()

    def start_gather(p):
        pltpu.async_copy(h.at[isrc[p]], rows[p], gsem[p])

    def wait_gather(p):
        pltpu.make_async_copy(h.at[isrc[p]], rows[p], gsem[p]).wait()

    load_idx(0, 0, sync=True)
    plsc.subcore_barrier()
    start_gather(0)
    load_idx(1, 1)

    def pair(jp, carry):
        for p in range(2):
            j = 2 * jp + p
            q = 1 - p
            wait_gather(p)

            @pl.when(j + 1 < NCH)
            def _():
                wait_idx(j + 1, q)
                start_gather(q)

            pltpu.sync_copy(rows[p], sagg.at[idst[p]], add=True)

            @pl.when(j + 2 < NCH)
            def _():
                load_idx(j + 2, p)
        return carry

    lax.fori_loop(0, NCH // 2, pair, 0)

    toff = pl.multiple_of(base + NCH * CHUNK, 8)
    pltpu.sync_copy(edges.at[pl.ds(toff, TAIL)], itail[0])
    pltpu.sync_copy(edges.at[pl.ds(E + toff, TAIL)], itail[1])
    pltpu.sync_copy(h.at[itail[0]], rows[0].at[pl.ds(0, TAIL)])
    pltpu.sync_copy(rows[0].at[pl.ds(0, TAIL)], sagg.at[itail[1]], add=True)

    plsc.subcore_barrier()
    @pl.when(s < 4)
    def _():
        roff = pl.multiple_of(s * ROWS_OUT, 8)
        sl = pl.ds(roff, ROWS_OUT)

        @pl.when(c == 0)
        def _():
            pltpu.sync_copy(sagg.at[sl], part0.at[sl])

        @pl.when(c == 1)
        def _():
            pltpu.sync_copy(sagg.at[sl], part1.at[sl])


def _out_body(p0_ref, p1_ref, ddst_ref, w_ref, b_ref, o_ref):
    a = p0_ref[...] + p1_ref[...]
    y = jnp.dot(a, w_ref[...], preferred_element_type=jnp.float32)
    nd = lax.rsqrt(jnp.maximum(ddst_ref[...], 1.0))[:, None]
    o_ref[...] = y[:N] * nd[:N] + b_ref[...]


def kernel(x, edge_index, W, bias):
    edges = edge_index.reshape(2 * E)

    dsrc, ddst = _deg_kernel(edges)
    h = pl.pallas_call(
        _scale_body,
        out_shape=jax.ShapeDtypeStruct((N, D), jnp.float32),
    )(x, dsrc)
    part0, part1 = _agg_kernel(edges, h)
    out = pl.pallas_call(
        _out_body,
        out_shape=jax.ShapeDtypeStruct((N, D), jnp.float32),
    )(part0, part1, ddst, W, bias.reshape(1, D))
    return out

# --- scband reference (transcript-rebuilt; emitter-appended) ---
"""Pipeline reference for scband-graph-conv-56556129354466 (READ-ONLY COPY).

The authoritative reference and input builder live on the scoring server;
editing this copy changes nothing except your own understanding.
"""

import jax, jax.numpy as jnp
import numpy as np

N = 10000
E = 320000
D_IN = 128
D_OUT = 128


def setup_inputs(seed: int = 0) -> dict:
    key = jax.random.key(seed)
    k1, k2, k3 = jax.random.split(key, 3)
    x = jax.random.normal(k1, (N, D_IN), dtype=jnp.float32)
    edge_index = jax.random.randint(k2, (2, E), 0, N, dtype=jnp.int32)
    # Glorot (xavier) uniform init for weight, zeros for bias (per reset_parameters)
    limit = np.sqrt(6.0 / (D_IN + D_OUT))
    W = jax.random.uniform(k3, (D_IN, D_OUT), dtype=jnp.float32, minval=-limit, maxval=limit)
    bias = jnp.zeros((D_OUT,), dtype=jnp.float32)
    return {"x": x, "edge_index": edge_index, "W": W, "bias": bias}


def reference(x, edge_index, W, bias):
    # DGL GraphConv with norm='both':
    # h_i = b + sum_{j in N(i)} (1/sqrt(d_out(j)) * 1/sqrt(d_in(i))) * h_j W
    src = edge_index[0]
    dst = edge_index[1]
    ones = jnp.ones((E,), dtype=jnp.float32)
    # out-degree normalization on source side
    out_deg = jax.ops.segment_sum(ones, src, num_segments=N)
    out_deg = jnp.maximum(out_deg, 1.0)
    norm_src = out_deg ** (-0.5)
    h = x * norm_src[:, None]
    # in_feats == out_feats: mult W first then aggregate (same result either order)
    h = h @ W
    # message passing: gather from src, scatter-add into dst
    messages = jnp.take(h, src, axis=0)
    agg = jax.ops.segment_sum(messages, dst, num_segments=N)
    # in-degree normalization on destination side
    in_deg = jax.ops.segment_sum(ones, dst, num_segments=N)
    in_deg = jnp.maximum(in_deg, 1.0)
    norm_dst = in_deg ** (-0.5)
    out = agg * norm_dst[:, None] + bias
    return out

if __name__ == "__main__":
    import jax
    _d = setup_inputs()
    print(jax.jit(kernel)(*tuple(_d.values())))

</pallas_src>

<mosaic_0001>
#map = affine_map<(d0, d1) -> (0)>
#map1 = affine_map<(d0, d1) -> (0, 0)>
module attributes {stable_mosaic.version = 14 : i64} {
  func.func @_agg_kernel(%arg0: i32, %arg1: i32, %arg2: memref<640000xi32, #tpu.memory_space<hbm>>, %arg3: memref<10000x128xf32, #tpu.memory_space<hbm>>, %arg4: memref<10016x128xf32, #tpu.memory_space<hbm>>, %arg5: memref<10016x128xf32, #tpu.memory_space<hbm>>, %arg6: memref<192xi32, #tpu.memory_space<vmem>>, %arg7: memref<192xi32, #tpu.memory_space<vmem>>, %arg8: memref<192xi32, #tpu.memory_space<vmem>>, %arg9: memref<192xi32, #tpu.memory_space<vmem>>, %arg10: memref<16xi32, #tpu.memory_space<vmem>>, %arg11: memref<16xi32, #tpu.memory_space<vmem>>, %arg12: memref<192x128xf32, #tpu.memory_space<vmem>>, %arg13: memref<192x128xf32, #tpu.memory_space<vmem>>, %arg14: memref<10016x128xf32, #tpu.memory_space<vmem_shared>>, %arg15: memref<!tpu.dma_semaphore, #tpu.memory_space<semaphore_mem>>, %arg16: memref<!tpu.dma_semaphore, #tpu.memory_space<semaphore_mem>>, %arg17: memref<!tpu.dma_semaphore, #tpu.memory_space<semaphore_mem>>, %arg18: memref<!tpu.dma_semaphore, #tpu.memory_space<semaphore_mem>>) attributes {dimension_semantics = [#tpu.dimension_semantics<core_parallel>, #tpu.dimension_semantics<subcore_parallel>], iteration_bounds = array<i64: 2, 16>, scalar_prefetch = 0 : i64, scratch_operands = 13 : i64, tpu.core_type = #tpu.core_type<sc_vector_subcore>, window_params = [{transform_indices = #map}, {transform_indices = #map1}, {transform_indices = #map1}, {transform_indices = #map1}]} {
    %mul3A = arith.constant 16 : i32
    %mul3A_0 = arith.muli %arg0, %mul3A : i32
    %add3A = arith.addi %mul3A_0, %arg1 : i32
    %mul3A_1 = arith.constant 10000 : i32
    %mul3A_2 = arith.muli %add3A, %mul3A_1 : i32
    %scan3A = arith.constant 0 : i32
    %scan3A_3 = arith.constant 0 : i32
    %scan3A_4 = arith.constant 160 : i32
    %scan3A_5 = arith.addi %scan3A_3, %scan3A_4 : i32
    %scan3A_6 = arith.constant 1 : i32
    scf.for %scan3A_52 = %scan3A_3 to %scan3A_5 step %scan3A_6  : i32 {
      %broadcast_in_dim3A = arith.constant 0.000000e+00 : f32
      %broadcast_in_dim3A_53 = vector.broadcast %broadcast_in_dim3A : f32 to vector<16xf32>
      %swap3A = arith.index_cast %scan3A_52 : i32 to index
      %swap3A_54 = arith.constant 0 : index
      %swap3A_55 = tpu.vector_load %arg12[%swap3A, %swap3A_54] {strides = array<i32>} : memref<192x128xf32, #tpu.memory_space<vmem>>, vector<1x16xf32>,
      %swap3A_56 = vector.shape_cast %swap3A_55 : vector<1x16xf32> to vector<16xf32>
      %swap3A_57 = vector.shape_cast %broadcast_in_dim3A_53 : vector<16xf32> to vector<1x16xf32>
      tpu.vector_store %arg12[%swap3A, %swap3A_54], %swap3A_57 {strides = array<i32>} : memref<192x128xf32, #tpu.memory_space<vmem>>, vector<1x16xf32>,
      %broadcast_in_dim3A_58 = arith.constant 0.000000e+00 : f32
      %broadcast_in_dim3A_59 = vector.broadcast %broadcast_in_dim3A_58 : f32 to vector<16xf32>
      %swap3A_60 = arith.index_cast %scan3A_52 : i32 to index
      %swap3A_61 = arith.constant 16 : index
      %swap3A_62 = tpu.vector_load %arg12[%swap3A_60, %swap3A_61] {strides = array<i32>} : memref<192x128xf32, #tpu.memory_space<vmem>>, vector<1x16xf32>,
      %swap3A_63 = vector.shape_cast %swap3A_62 : vector<1x16xf32> to vector<16xf32>
      %swap3A_64 = vector.shape_cast %broadcast_in_dim3A_59 : vector<16xf32> to vector<1x16xf32>
      tpu.vector_store %arg12[%swap3A_60, %swap3A_61], %swap3A_64 {strides = array<i32>} : memref<192x128xf32, #tpu.memory_space<vmem>>, vector<1x16xf32>,
      %broadcast_in_dim3A_65 = arith.constant 0.000000e+00 : f32
      %broadcast_in_dim3A_66 = vector.broadcast %broadcast_in_dim3A_65 : f32 to vector<16xf32>
      %swap3A_67 = arith.index_cast %scan3A_52 : i32 to index
      %swap3A_68 = arith.constant 32 : index
      %swap3A_69 = tpu.vector_load %arg12[%swap3A_67, %swap3A_68] {strides = array<i32>} : memref<192x128xf32, #tpu.memory_space<vmem>>, vector<1x16xf32>,
      %swap3A_70 = vector.shape_cast %swap3A_69 : vector<1x16xf32> to vector<16xf32>
      %swap3A_71 = vector.shape_cast %broadcast_in_dim3A_66 : vector<16xf32> to vector<1x16xf32>
      tpu.vector_store %arg12[%swap3A_67, %swap3A_68], %swap3A_71 {strides = array<i32>} : memref<192x128xf32, #tpu.memory_space<vmem>>, vector<1x16xf32>,
      %broadcast_in_dim3A_72 = arith.constant 0.000000e+00 : f32
      %broadcast_in_dim3A_73 = vector.broadcast %broadcast_in_dim3A_72 : f32 to vector<16xf32>
      %swap3A_74 = arith.index_cast %scan3A_52 : i32 to index
      %swap3A_75 = arith.constant 48 : index
      %swap3A_76 = tpu.vector_load %arg12[%swap3A_74, %swap3A_75] {strides = array<i32>} : memref<192x128xf32, #tpu.memory_space<vmem>>, vector<1x16xf32>,
      %swap3A_77 = vector.shape_cast %swap3A_76 : vector<1x16xf32> to vector<16xf32>
      %swap3A_78 = vector.shape_cast %broadcast_in_dim3A_73 : vector<16xf32> to vector<1x16xf32>
      tpu.vector_store %arg12[%swap3A_74, %swap3A_75], %swap3A_78 {strides = array<i32>} : memref<192x128xf32, #tpu.memory_space<vmem>>, vector<1x16xf32>,
      %broadcast_in_dim3A_79 = arith.constant 0.000000e+00 : f32
      %broadcast_in_dim3A_80 = vector.broadcast %broadcast_in_dim3A_79 : f32 to vector<16xf32>
      %swap3A_81 = arith.index_cast %scan3A_52 : i32 to index
      %swap3A_82 = arith.constant 64 : index
      %swap3A_83 = tpu.vector_load %arg12[%swap3A_81, %swap3A_82] {strides = array<i32>} : memref<192x128xf32, #tpu.memory_space<vmem>>, vector<1x16xf32>,
      %swap3A_84 = vector.shape_cast %swap3A_83 : vector<1x16xf32> to vector<16xf32>
      %swap3A_85 = vector.shape_cast %broadcast_in_dim3A_80 : vector<16xf32> to vector<1x16xf32>
      tpu.vector_store %arg12[%swap3A_81, %swap3A_82], %swap3A_85 {strides = array<i32>} : memref<192x128xf32, #tpu.memory_space<vmem>>, vector<1x16xf32>,
      %broadcast_in_dim3A_86 = arith.constant 0.000000e+00 : f32
      %broadcast_in_dim3A_87 = vector.broadcast %broadcast_in_dim3A_86 : f32 to vector<16xf32>
      %swap3A_88 = arith.index_cast %scan3A_52 : i32 to index
      %swap3A_89 = arith.constant 80 : index
      %swap3A_90 = tpu.vector_load %arg12[%swap3A_88, %swap3A_89] {strides = array<i32>} : memref<192x128xf32, #tpu.memory_space<vmem>>, vector<1x16xf32>,
      %swap3A_91 = vector.shape_cast %swap3A_90 : vector<1x16xf32> to vector<16xf32>
      %swap3A_92 = vector.shape_cast %broadcast_in_dim3A_87 : vector<16xf32> to vector<1x16xf32>
      tpu.vector_store %arg12[%swap3A_88, %swap3A_89], %swap3A_92 {strides = array<i32>} : memref<192x128xf32, #tpu.memory_space<vmem>>, vector<1x16xf32>,
      %broadcast_in_dim3A_93 = arith.constant 0.000000e+00 : f32
      %broadcast_in_dim3A_94 = vector.broadcast %broadcast_in_dim3A_93 : f32 to vector<16xf32>
      %swap3A_95 = arith.index_cast %scan3A_52 : i32 to index
      %swap3A_96 = arith.constant 96 : index
      %swap3A_97 = tpu.vector_load %arg12[%swap3A_95, %swap3A_96] {strides = array<i32>} : memref<192x128xf32, #tpu.memory_space<vmem>>, vector<1x16xf32>,
      %swap3A_98 = vector.shape_cast %swap3A_97 : vector<1x16xf32> to vector<16xf32>
      %swap3A_99 = vector.shape_cast %broadcast_in_dim3A_94 : vector<16xf32> to vector<1x16xf32>
      tpu.vector_store %arg12[%swap3A_95, %swap3A_96], %swap3A_99 {strides = array<i32>} : memref<192x128xf32, #tpu.memory_space<vmem>>, vector<1x16xf32>,
      %broadcast_in_dim3A_100 = arith.constant 0.000000e+00 : f32
      %broadcast_in_dim3A_101 = vector.broadcast %broadcast_in_dim3A_100 : f32 to vector<16xf32>
      %swap3A_102 = arith.index_cast %scan3A_52 : i32 to index
      %swap3A_103 = arith.constant 112 : index
      %swap3A_104 = tpu.vector_load %arg12[%swap3A_102, %swap3A_103] {strides = array<i32>} : memref<192x128xf32, #tpu.memory_space<vmem>>, vector<1x16xf32>,
      %swap3A_105 = vector.shape_cast %swap3A_104 : vector<1x16xf32> to vector<16xf32>
      %swap3A_106 = vector.shape_cast %broadcast_in_dim3A_101 : vector<16xf32> to vector<1x16xf32>
      tpu.vector_store %arg12[%swap3A_102, %swap3A_103], %swap3A_106 {strides = array<i32>} : memref<192x128xf32, #tpu.memory_space<vmem>>, vector<1x16xf32>,
    }
    %scan3A_7 = arith.constant 160 : i32
    %lt3A = arith.constant 15 : i32
    %lt3A_8 = arith.cmpi slt, %arg1, %lt3A : i32
    %convert_element_type3A = arith.extui %lt3A_8 : i1 to i32
    %cond3A = arith.constant 0 : i32
    %cond3A_9 = arith.cmpi ne, %convert_element_type3A, %cond3A : i32
    scf.if %cond3A_9 {
      %mul3A_52 = arith.constant 632 : i32
      %mul3A_53 = arith.muli %arg1, %mul3A_52 : i32
      %multiple_of3A_54 = tpu.assume_multiple %mul3A_53, 8 : i32
      %add3A_55 = arith.constant 0 : i32
      %add3A_56 = arith.addi %multiple_of3A_54, %add3A_55 : i32
      "tpu.region"() ({
        %run_scoped3A = tpu.sem_alloc : memref<!tpu.dma_semaphore, #tpu.memory_space<semaphore_mem>>
        %dma_start3A_63 = arith.constant 0 : i32
        %dma_start3A_64 = arith.constant 0 : i32
        %dma_start3A_65 = tpu.memref_slice %arg12[%dma_start3A_63, %dma_start3A_64] : memref<192x128xf32, #tpu.memory_space<vmem>> -> memref<160x128xf32, #tpu.memory_space<vmem>>
        %dma_start3A_66 = arith.constant 0 : i32
        %dma_start3A_67 = tpu.memref_slice %arg14[%add3A_56, %dma_start3A_66] : memref<10016x128xf32, #tpu.memory_space<vmem_shared>> -> memref<160x128xf32, #tpu.memory_space<vmem_shared>>
        %dma_start3A_68 = arith.constant 0 : i32
        %dma_start3A_69 = tpu.memref_slice %arg14[%add3A_56, %dma_start3A_68] : memref<10016x128xf32, #tpu.memory_space<vmem_shared>> -> memref<160x128xf32, #tpu.memory_space<vmem_shared>>
        %dma_start3A_70 = arith.constant 0 : i32
        %dma_start3A_71 = arith.constant 0 : i32
        %dma_start3A_72 = tpu.memref_slice %arg12[%dma_start3A_70, %dma_start3A_71] : memref<192x128xf32, #tpu.memory_space<vmem>> -> memref<160x128xf32, #tpu.memory_space<vmem>>
        tpu.enqueue_dma source(%dma_start3A_72 : memref<160x128xf32, #tpu.memory_space<vmem>>) target(%dma_start3A_69 : memref<160x128xf32, #tpu.memory_space<vmem_shared>>) target_semaphore(%run_scoped3A : memref<!tpu.dma_semaphore, #tpu.memory_space<semaphore_mem>>)
        %dma_wait3A = arith.constant 0 : i32
        %dma_wait3A_73 = arith.constant 0 : i32
        %dma_wait3A_74 = tpu.memref_slice %arg12[%dma_wait3A, %dma_wait3A_73] : memref<192x128xf32, #tpu.memory_space<vmem>> -> memref<160x128xf32, #tpu.memory_space<vmem>>
        %dma_wait3A_75 = arith.constant 0 : i32
        %dma_wait3A_76 = tpu.memref_slice %arg14[%add3A_56, %dma_wait3A_75] : memref<10016x128xf32, #tpu.memory_space<vmem_shared>> -> memref<160x128xf32, #tpu.memory_space<vmem_shared>>
        %dma_wait3A_77 = arith.constant 0 : i32
        %dma_wait3A_78 = tpu.memref_slice %arg14[%add3A_56, %dma_wait3A_77] : memref<10016x128xf32, #tpu.memory_space<vmem_shared>> -> memref<160x128xf32, #tpu.memory_space<vmem_shared>>
        %dma_wait3A_79 = arith.constant 0 : i32
        %dma_wait3A_80 = arith.constant 0 : i32
        %dma_wait3A_81 = tpu.memref_slice %arg12[%dma_wait3A_79, %dma_wait3A_80] : memref<192x128xf32, #tpu.memory_space<vmem>> -> memref<160x128xf32, #tpu.memory_space<vmem>>
        tpu.wait_dma2 semaphore(%run_scoped3A : memref<!tpu.dma_semaphore, #tpu.memory_space<semaphore_mem>>) src(%dma_wait3A_81 : memref<160x128xf32, #tpu.memory_space<vmem>>) dst(%dma_wait3A_78 : memref<160x128xf32, #tpu.memory_space<vmem_shared>>)
        tpu.yield
      }) : () -> ()
      %add3A_57 = arith.constant 160 : i32
      %add3A_58 = arith.addi %multiple_of3A_54, %add3A_57 : i32
      "tpu.region"() ({
        %run_scoped3A = tpu.sem_alloc : memref<!tpu.dma_semaphore, #tpu.memory_space<semaphore_mem>>
        %dma_start3A_63 = arith.constant 0 : i32
        %dma_start3A_64 = arith.constant 0 : i32
        %dma_start3A_65 = tpu.memref_slice %arg12[%dma_start3A_63, %dma_start3A_64] : memref<192x128xf32, #tpu.memory_space<vmem>> -> memref<160x128xf32, #tpu.memory_space<vmem>>
        %dma_start3A_66 = arith.constant 0 : i32
        %dma_start3A_67 = tpu.memref_slice %arg14[%add3A_58, %dma_start3A_66] : memref<10016x128xf32, #tpu.memory_space<vmem_shared>> -> memref<160x128xf32, #tpu.memory_space<vmem_shared>>
        %dma_start3A_68 = arith.constant 0 : i32
        %dma_start3A_69 = tpu.memref_slice %arg14[%add3A_58, %dma_start3A_68] : memref<10016x128xf32, #tpu.memory_space<vmem_shared>> -> memref<160x128xf32, #tpu.memory_space<vmem_shared>>
        %dma_start3A_70 = arith.constant 0 : i32
        %dma_start3A_71 = arith.constant 0 : i32
        %dma_start3A_72 = tpu.memref_slice %arg12[%dma_start3A_70, %dma_start3A_71] : memref<192x128xf32, #tpu.memory_space<vmem>> -> memref<160x128xf32, #tpu.memory_space<vmem>>
        tpu.enqueue_dma source(%dma_start3A_72 : memref<160x128xf32, #tpu.memory_space<vmem>>) target(%dma_start3A_69 : memref<160x128xf32, #tpu.memory_space<vmem_shared>>) target_semaphore(%run_scoped3A : memref<!tpu.dma_semaphore, #tpu.memory_space<semaphore_mem>>)
        %dma_wait3A = arith.constant 0 : i32
        %dma_wait3A_73 = arith.constant 0 : i32
        %dma_wait3A_74 = tpu.memref_slice %arg12[%dma_wait3A, %dma_wait3A_73] : memref<192x128xf32, #tpu.memory_space<vmem>> -> memref<160x128xf32, #tpu.memory_space<vmem>>
        %dma_wait3A_75 = arith.constant 0 : i32
        %dma_wait3A_76 = tpu.memref_slice %arg14[%add3A_58, %dma_wait3A_75] : memref<10016x128xf32, #tpu.memory_space<vmem_shared>> -> memref<160x128xf32, #tpu.memory_space<vmem_shared>>
        %dma_wait3A_77 = arith.constant 0 : i32
        %dma_wait3A_78 = tpu.memref_slice %arg14[%add3A_58, %dma_wait3A_77] : memref<10016x128xf32, #tpu.memory_space<vmem_shared>> -> memref<160x128xf32, #tpu.memory_space<vmem_shared>>
        %dma_wait3A_79 = arith.constant 0 : i32
        %dma_wait3A_80 = arith.constant 0 : i32
        %dma_wait3A_81 = tpu.memref_slice %arg12[%dma_wait3A_79, %dma_wait3A_80] : memref<192x128xf32, #tpu.memory_space<vmem>> -> memref<160x128xf32, #tpu.memory_space<vmem>>
        tpu.wait_dma2 semaphore(%run_scoped3A : memref<!tpu.dma_semaphore, #tpu.memory_space<semaphore_mem>>) src(%dma_wait3A_81 : memref<160x128xf32, #tpu.memory_space<vmem>>) dst(%dma_wait3A_78 : memref<160x128xf32, #tpu.memory_space<vmem_shared>>)
        tpu.yield
      }) : () -> ()
      %add3A_59 = arith.constant 320 : i32
      %add3A_60 = arith.addi %multiple_of3A_54, %add3A_59 : i32
      "tpu.region"() ({
        %run_scoped3A = tpu.sem_alloc : memref<!tpu.dma_semaphore, #tpu.memory_space<semaphore_mem>>
        %dma_start3A_63 = arith.constant 0 : i32
        %dma_start3A_64 = arith.constant 0 : i32
        %dma_start3A_65 = tpu.memref_slice %arg12[%dma_start3A_63, %dma_start3A_64] : memref<192x128xf32, #tpu.memory_space<vmem>> -> memref<160x128xf32, #tpu.memory_space<vmem>>
        %dma_start3A_66 = arith.constant 0 : i32
        %dma_start3A_67 = tpu.memref_slice %arg14[%add3A_60, %dma_start3A_66] : memref<10016x128xf32, #tpu.memory_space<vmem_shared>> -> memref<160x128xf32, #tpu.memory_space<vmem_shared>>
        %dma_start3A_68 = arith.constant 0 : i32
        %dma_start3A_69 = tpu.memref_slice %arg14[%add3A_60, %dma_start3A_68] : memref<10016x128xf32, #tpu.memory_space<vmem_shared>> -> memref<160x128xf32, #tpu.memory_space<vmem_shared>>
        %dma_start3A_70 = arith.constant 0 : i32
        %dma_start3A_71 = arith.constant 0 : i32
        %dma_start3A_72 = tpu.memref_slice %arg12[%dma_start3A_70, %dma_start3A_71] : memref<192x128xf32, #tpu.memory_space<vmem>> -> memref<160x128xf32, #tpu.memory_space<vmem>>
        tpu.enqueue_dma source(%dma_start3A_72 : memref<160x128xf32, #tpu.memory_space<vmem>>) target(%dma_start3A_69 : memref<160x128xf32, #tpu.memory_space<vmem_shared>>) target_semaphore(%run_scoped3A : memref<!tpu.dma_semaphore, #tpu.memory_space<semaphore_mem>>)
        %dma_wait3A = arith.constant 0 : i32
        %dma_wait3A_73 = arith.constant 0 : i32
        %dma_wait3A_74 = tpu.memref_slice %arg12[%dma_wait3A, %dma_wait3A_73] : memref<192x128xf32, #tpu.memory_space<vmem>> -> memref<160x128xf32, #tpu.memory_space<vmem>>
        %dma_wait3A_75 = arith.constant 0 : i32
        %dma_wait3A_76 = tpu.memref_slice %arg14[%add3A_60, %dma_wait3A_75] : memref<10016x128xf32, #tpu.memory_space<vmem_shared>> -> memref<160x128xf32, #tpu.memory_space<vmem_shared>>
        %dma_wait3A_77 = arith.constant 0 : i32
        %dma_wait3A_78 = tpu.memref_slice %arg14[%add3A_60, %dma_wait3A_77] : memref<10016x128xf32, #tpu.memory_space<vmem_shared>> -> memref<160x128xf32, #tpu.memory_space<vmem_shared>>
        %dma_wait3A_79 = arith.constant 0 : i32
        %dma_wait3A_80 = arith.constant 0 : i32
        %dma_wait3A_81 = tpu.memref_slice %arg12[%dma_wait3A_79, %dma_wait3A_80] : memref<192x128xf32, #tpu.memory_space<vmem>> -> memref<160x128xf32, #tpu.memory_space<vmem>>
        tpu.wait_dma2 semaphore(%run_scoped3A : memref<!tpu.dma_semaphore, #tpu.memory_space<semaphore_mem>>) src(%dma_wait3A_81 : memref<160x128xf32, #tpu.memory_space<vmem>>) dst(%dma_wait3A_78 : memref<160x128xf32, #tpu.memory_space<vmem_shared>>)
        tpu.yield
      }) : () -> ()
      %add3A_61 = arith.constant 480 : i32
      %add3A_62 = arith.addi %multiple_of3A_54, %add3A_61 : i32
      "tpu.region"() ({
        %run_scoped3A = tpu.sem_alloc : memref<!tpu.dma_semaphore, #tpu.memory_space<semaphore_mem>>
        %dma_start3A_63 = arith.constant 0 : i32
        %dma_start3A_64 = arith.constant 0 : i32
        %dma_start3A_65 = tpu.memref_slice %arg12[%dma_start3A_63, %dma_start3A_64] : memref<192x128xf32, #tpu.memory_space<vmem>> -> memref<152x128xf32, #tpu.memory_space<vmem>>
        %dma_start3A_66 = arith.constant 0 : i32
        %dma_start3A_67 = tpu.memref_slice %arg14[%add3A_62, %dma_start3A_66] : memref<10016x128xf32, #tpu.memory_space<vmem_shared>> -> memref<152x128xf32, #tpu.memory_space<vmem_shared>>
        %dma_start3A_68 = arith.constant 0 : i32
        %dma_start3A_69 = tpu.memref_slice %arg14[%add3A_62, %dma_start3A_68] : memref<10016x128xf32, #tpu.memory_space<vmem_shared>> -> memref<152x128xf32, #tpu.memory_space<vmem_shared>>
        %dma_start3A_70 = arith.constant 0 : i32
        %dma_start3A_71 = arith.constant 0 : i32
        %dma_start3A_72 = tpu.memref_slice %arg12[%dma_start3A_70, %dma_start3A_71] : memref<192x128xf32, #tpu.memory_space<vmem>> -> memref<152x128xf32, #tpu.memory_space<vmem>>
        tpu.enqueue_dma source(%dma_start3A_72 : memref<152x128xf32, #tpu.memory_space<vmem>>) target(%dma_start3A_69 : memref<152x128xf32, #tpu.memory_space<vmem_shared>>) target_semaphore(%run_scoped3A : memref<!tpu.dma_semaphore, #tpu.memory_space<semaphore_mem>>)
        %dma_wait3A = arith.constant 0 : i32
        %dma_wait3A_73 = arith.constant 0 : i32
        %dma_wait3A_74 = tpu.memref_slice %arg12[%dma_wait3A, %dma_wait3A_73] : memref<192x128xf32, #tpu.memory_space<vmem>> -> memref<152x128xf32, #tpu.memory_space<vmem>>
        %dma_wait3A_75 = arith.constant 0 : i32
        %dma_wait3A_76 = tpu.memref_slice %arg14[%add3A_62, %dma_wait3A_75] : memref<10016x128xf32, #tpu.memory_space<vmem_shared>> -> memref<152x128xf32, #tpu.memory_space<vmem_shared>>
        %dma_wait3A_77 = arith.constant 0 : i32
        %dma_wait3A_78 = tpu.memref_slice %arg14[%add3A_62, %dma_wait3A_77] : memref<10016x128xf32, #tpu.memory_space<vmem_shared>> -> memref<152x128xf32, #tpu.memory_space<vmem_shared>>
        %dma_wait3A_79 = arith.constant 0 : i32
        %dma_wait3A_80 = arith.constant 0 : i32
        %dma_wait3A_81 = tpu.memref_slice %arg12[%dma_wait3A_79, %dma_wait3A_80] : memref<192x128xf32, #tpu.memory_space<vmem>> -> memref<152x128xf32, #tpu.memory_space<vmem>>
        tpu.wait_dma2 semaphore(%run_scoped3A : memref<!tpu.dma_semaphore, #tpu.memory_space<semaphore_mem>>) src(%dma_wait3A_81 : memref<152x128xf32, #tpu.memory_space<vmem>>) dst(%dma_wait3A_78 : memref<152x128xf32, #tpu.memory_space<vmem_shared>>)
        tpu.yield
      }) : () -> ()
    } else {
    }
    %eq3A = arith.constant 15 : i32
    %eq3A_10 = arith.cmpi eq, %arg1, %eq3A : i32
    %convert_element_type3A_11 = arith.extui %eq3A_10 : i1 to i32
    %cond3A_12 = arith.constant 0 : i32
    %cond3A_13 = arith.cmpi ne, %convert_element_type3A_11, %cond3A_12 : i32
    scf.if %cond3A_13 {
      "tpu.region"() ({
        %run_scoped3A = tpu.sem_alloc : memref<!tpu.dma_semaphore, #tpu.memory_space<semaphore_mem>>
        %dma_start3A_52 = arith.constant 0 : i32
        %dma_start3A_53 = arith.constant 0 : i32
        %dma_start3A_54 = tpu.memref_slice %arg12[%dma_start3A_52, %dma_start3A_53] : memref<192x128xf32, #tpu.memory_space<vmem>> -> memref<160x128xf32, #tpu.memory_space<vmem>>
        %dma_start3A_55 = arith.constant 9480 : i32
        %dma_start3A_56 = arith.constant 0 : i32
        %dma_start3A_57 = tpu.memref_slice %arg14[%dma_start3A_55, %dma_start3A_56] : memref<10016x128xf32, #tpu.memory_space<vmem_shared>> -> memref<160x128xf32, #tpu.memory_space<vmem_shared>>
        %dma_start3A_58 = arith.constant 9480 : i32
        %dma_start3A_59 = arith.constant 0 : i32
        %dma_start3A_60 = tpu.memref_slice %arg14[%dma_start3A_58, %dma_start3A_59] : memref<10016x128xf32, #tpu.memory_space<vmem_shared>> -> memref<160x128xf32, #tpu.memory_space<vmem_shared>>
        %dma_start3A_61 = arith.constant 0 : i32
        %dma_start3A_62 = arith.constant 0 : i32
        %dma_start3A_63 = tpu.memref_slice %arg12[%dma_start3A_61, %dma_start3A_62] : memref<192x128xf32, #tpu.memory_space<vmem>> -> memref<160x128xf32, #tpu.memory_space<vmem>>
        tpu.enqueue_dma source(%dma_start3A_63 : memref<160x128xf32, #tpu.memory_space<vmem>>) target(%dma_start3A_60 : memref<160x128xf32, #tpu.memory_space<vmem_shared>>) target_semaphore(%run_scoped3A : memref<!tpu.dma_semaphore, #tpu.memory_space<semaphore_mem>>)
        %dma_wait3A = arith.constant 0 : i32
        %dma_wait3A_64 = arith.constant 0 : i32
        %dma_wait3A_65 = tpu.memref_slice %arg12[%dma_wait3A, %dma_wait3A_64] : memref<192x128xf32, #tpu.memory_space<vmem>> -> memref<160x128xf32, #tpu.memory_space<vmem>>
        %dma_wait3A_66 = arith.constant 9480 : i32
        %dma_wait3A_67 = arith.constant 0 : i32
        %dma_wait3A_68 = tpu.memref_slice %arg14[%dma_wait3A_66, %dma_wait3A_67] : memref<10016x128xf32, #tpu.memory_space<vmem_shared>> -> memref<160x128xf32, #tpu.memory_space<vmem_shared>>
        %dma_wait3A_69 = arith.constant 9480 : i32
        %dma_wait3A_70 = arith.constant 0 : i32
        %dma_wait3A_71 = tpu.memref_slice %arg14[%dma_wait3A_69, %dma_wait3A_70] : memref<10016x128xf32, #tpu.memory_space<vmem_shared>> -> memref<160x128xf32, #tpu.memory_space<vmem_shared>>
        %dma_wait3A_72 = arith.constant 0 : i32
        %dma_wait3A_73 = arith.constant 0 : i32
        %dma_wait3A_74 = tpu.memref_slice %arg12[%dma_wait3A_72, %dma_wait3A_73] : memref<192x128xf32, #tpu.memory_space<vmem>> -> memref<160x128xf32, #tpu.memory_space<vmem>>
        tpu.wait_dma2 semaphore(%run_scoped3A : memref<!tpu.dma_semaphore, #tpu.memory_space<semaphore_mem>>) src(%dma_wait3A_74 : memref<160x128xf32, #tpu.memory_space<vmem>>) dst(%dma_wait3A_71 : memref<160x128xf32, #tpu.memory_space<vmem_shared>>)
        tpu.yield
      }) : () -> ()
      "tpu.region"() ({
        %run_scoped3A = tpu.sem_alloc : memref<!tpu.dma_semaphore, #tpu.memory_space<semaphore_mem>>
        %dma_start3A_52 = arith.constant 0 : i32
        %dma_start3A_53 = arith.constant 0 : i32
        %dma_start3A_54 = tpu.memref_slice %arg12[%dma_start3A_52, %dma_start3A_53] : memref<192x128xf32, #tpu.memory_space<vmem>> -> memref<160x128xf32, #tpu.memory_space<vmem>>
        %dma_start3A_55 = arith.constant 9640 : i32
        %dma_start3A_56 = arith.constant 0 : i32
        %dma_start3A_57 = tpu.memref_slice %arg14[%dma_start3A_55, %dma_start3A_56] : memref<10016x128xf32, #tpu.memory_space<vmem_shared>> -> memref<160x128xf32, #tpu.memory_space<vmem_shared>>
        %dma_start3A_58 = arith.constant 9640 : i32
        %dma_start3A_59 = arith.constant 0 : i32
        %dma_start3A_60 = tpu.memref_slice %arg14[%dma_start3A_58, %dma_start3A_59] : memref<10016x128xf32, #tpu.memory_space<vmem_shared>> -> memref<160x128xf32, #tpu.memory_space<vmem_shared>>
        %dma_start3A_61 = arith.constant 0 : i32
        %dma_start3A_62 = arith.constant 0 : i32
        %dma_start3A_63 = tpu.memref_slice %arg12[%dma_start3A_61, %dma_start3A_62] : memref<192x128xf32, #tpu.memory_space<vmem>> -> memref<160x128xf32, #tpu.memory_space<vmem>>
        tpu.enqueue_dma source(%dma_start3A_63 : memref<160x128xf32, #tpu.memory_space<vmem>>) target(%dma_start3A_60 : memref<160x128xf32, #tpu.memory_space<vmem_shared>>) target_semaphore(%run_scoped3A : memref<!tpu.dma_semaphore, #tpu.memory_space<semaphore_mem>>)
        %dma_wait3A = arith.constant 0 : i32
        %dma_wait3A_64 = arith.constant 0 : i32
        %dma_wait3A_65 = tpu.memref_slice %arg12[%dma_wait3A, %dma_wait3A_64] : memref<192x128xf32, #tpu.memory_space<vmem>> -> memref<160x128xf32, #tpu.memory_space<vmem>>
        %dma_wait3A_66 = arith.constant 9640 : i32
        %dma_wait3A_67 = arith.constant 0 : i32
        %dma_wait3A_68 = tpu.memref_slice %arg14[%dma_wait3A_66, %dma_wait3A_67] : memref<10016x128xf32, #tpu.memory_space<vmem_shared>> -> memref<160x128xf32, #tpu.memory_space<vmem_shared>>
        %dma_wait3A_69 = arith.constant 9640 : i32
        %dma_wait3A_70 = arith.constant 0 : i32
        %dma_wait3A_71 = tpu.memref_slice %arg14[%dma_wait3A_69, %dma_wait3A_70] : memref<10016x128xf32, #tpu.memory_space<vmem_shared>> -> memref<160x128xf32, #tpu.memory_space<vmem_shared>>
        %dma_wait3A_72 = arith.constant 0 : i32
        %dma_wait3A_73 = arith.constant 0 : i32
        %dma_wait3A_74 = tpu.memref_slice %arg12[%dma_wait3A_72, %dma_wait3A_73] : memref<192x128xf32, #tpu.memory_space<vmem>> -> memref<160x128xf32, #tpu.memory_space<vmem>>
        tpu.wait_dma2 semaphore(%run_scoped3A : memref<!tpu.dma_semaphore, #tpu.memory_space<semaphore_mem>>) src(%dma_wait3A_74 : memref<160x128xf32, #tpu.memory_space<vmem>>) dst(%dma_wait3A_71 : memref<160x128xf32, #tpu.memory_space<vmem_shared>>)
        tpu.yield
      }) : () -> ()
      "tpu.region"() ({
        %run_scoped3A = tpu.sem_alloc : memref<!tpu.dma_semaphore, #tpu.memory_space<semaphore_mem>>
        %dma_start3A_52 = arith.constant 0 : i32
        %dma_start3A_53 = arith.constant 0 : i32
        %dma_start3A_54 = tpu.memref_slice %arg12[%dma_start3A_52, %dma_start3A_53] : memref<192x128xf32, #tpu.memory_space<vmem>> -> memref<160x128xf32, #tpu.memory_space<vmem>>
        %dma_start3A_55 = arith.constant 9800 : i32
        %dma_start3A_56 = arith.constant 0 : i32
        %dma_start3A_57 = tpu.memref_slice %arg14[%dma_start3A_55, %dma_start3A_56] : memref<10016x128xf32, #tpu.memory_space<vmem_shared>> -> memref<160x128xf32, #tpu.memory_space<vmem_shared>>
        %dma_start3A_58 = arith.constant 9800 : i32
        %dma_start3A_59 = arith.constant 0 : i32
        %dma_start3A_60 = tpu.memref_slice %arg14[%dma_start3A_58, %dma_start3A_59] : memref<10016x128xf32, #tpu.memory_space<vmem_shared>> -> memref<160x128xf32, #tpu.memory_space<vmem_shared>>
        %dma_start3A_61 = arith.constant 0 : i32
        %dma_start3A_62 = arith.constant 0 : i32
        %dma_start3A_63 = tpu.memref_slice %arg12[%dma_start3A_61, %dma_start3A_62] : memref<192x128xf32, #tpu.memory_space<vmem>> -> memref<160x128xf32, #tpu.memory_space<vmem>>
        tpu.enqueue_dma source(%dma_start3A_63 : memref<160x128xf32, #tpu.memory_space<vmem>>) target(%dma_start3A_60 : memref<160x128xf32, #tpu.memory_space<vmem_shared>>) target_semaphore(%run_scoped3A : memref<!tpu.dma_semaphore, #tpu.memory_space<semaphore_mem>>)
        %dma_wait3A = arith.constant 0 : i32
        %dma_wait3A_64 = arith.constant 0 : i32
        %dma_wait3A_65 = tpu.memref_slice %arg12[%dma_wait3A, %dma_wait3A_64] : memref<192x128xf32, #tpu.memory_space<vmem>> -> memref<160x128xf32, #tpu.memory_space<vmem>>
        %dma_wait3A_66 = arith.constant 9800 : i32
        %dma_wait3A_67 = arith.constant 0 : i32
        %dma_wait3A_68 = tpu.memref_slice %arg14[%dma_wait3A_66, %dma_wait3A_67] : memref<10016x128xf32, #tpu.memory_space<vmem_shared>> -> memref<160x128xf32, #tpu.memory_space<vmem_shared>>
        %dma_wait3A_69 = arith.constant 9800 : i32
        %dma_wait3A_70 = arith.constant 0 : i32
        %dma_wait3A_71 = tpu.memref_slice %arg14[%dma_wait3A_69, %dma_wait3A_70] : memref<10016x128xf32, #tpu.memory_space<vmem_shared>> -> memref<160x128xf32, #tpu.memory_space<vmem_shared>>
        %dma_wait3A_72 = arith.constant 0 : i32
        %dma_wait3A_73 = arith.constant 0 : i32
        %dma_wait3A_74 = tpu.memref_slice %arg12[%dma_wait3A_72, %dma_wait3A_73] : memref<192x128xf32, #tpu.memory_space<vmem>> -> memref<160x128xf32, #tpu.memory_space<vmem>>
        tpu.wait_dma2 semaphore(%run_scoped3A : memref<!tpu.dma_semaphore, #tpu.memory_space<semaphore_mem>>) src(%dma_wait3A_74 : memref<160x128xf32, #tpu.memory_space<vmem>>) dst(%dma_wait3A_71 : memref<160x128xf32, #tpu.memory_space<vmem_shared>>)
        tpu.yield
      }) : () -> ()
      "tpu.region"() ({
        %run_scoped3A = tpu.sem_alloc : memref<!tpu.dma_semaphore, #tpu.memory_space<semaphore_mem>>
        %dma_start3A_52 = arith.constant 0 : i32
        %dma_start3A_53 = arith.constant 0 : i32
        %dma_start3A_54 = tpu.memref_slice %arg12[%dma_start3A_52, %dma_start3A_53] : memref<192x128xf32, #tpu.memory_space<vmem>> -> memref<56x128xf32, #tpu.memory_space<vmem>>
        %dma_start3A_55 = arith.constant 9960 : i32
        %dma_start3A_56 = arith.constant 0 : i32
        %dma_start3A_57 = tpu.memref_slice %arg14[%dma_start3A_55, %dma_start3A_56] : memref<10016x128xf32, #tpu.memory_space<vmem_shared>> -> memref<56x128xf32, #tpu.memory_space<vmem_shared>>
        %dma_start3A_58 = arith.constant 9960 : i32
        %dma_start3A_59 = arith.constant 0 : i32
        %dma_start3A_60 = tpu.memref_slice %arg14[%dma_start3A_58, %dma_start3A_59] : memref<10016x128xf32, #tpu.memory_space<vmem_shared>> -> memref<56x128xf32, #tpu.memory_space<vmem_shared>>
        %dma_start3A_61 = arith.constant 0 : i32
        %dma_start3A_62 = arith.constant 0 : i32
        %dma_start3A_63 = tpu.memref_slice %arg12[%dma_start3A_61, %dma_start3A_62] : memref<192x128xf32, #tpu.memory_space<vmem>> -> memref<56x128xf32, #tpu.memory_space<vmem>>
        tpu.enqueue_dma source(%dma_start3A_63 : memref<56x128xf32, #tpu.memory_space<vmem>>) target(%dma_start3A_60 : memref<56x128xf32, #tpu.memory_space<vmem_shared>>) target_semaphore(%run_scoped3A : memref<!tpu.dma_semaphore, #tpu.memory_space<semaphore_mem>>)
        %dma_wait3A = arith.constant 0 : i32
        %dma_wait3A_64 = arith.constant 0 : i32
        %dma_wait3A_65 = tpu.memref_slice %arg12[%dma_wait3A, %dma_wait3A_64] : memref<192x128xf32, #tpu.memory_space<vmem>> -> memref<56x128xf32, #tpu.memory_space<vmem>>
        %dma_wait3A_66 = arith.constant 9960 : i32
        %dma_wait3A_67 = arith.constant 0 : i32
        %dma_wait3A_68 = tpu.memref_slice %arg14[%dma_wait3A_66, %dma_wait3A_67] : memref<10016x128xf32, #tpu.memory_space<vmem_shared>> -> memref<56x128xf32, #tpu.memory_space<vmem_shared>>
        %dma_wait3A_69 = arith.constant 9960 : i32
        %dma_wait3A_70 = arith.constant 0 : i32
        %dma_wait3A_71 = tpu.memref_slice %arg14[%dma_wait3A_69, %dma_wait3A_70] : memref<10016x128xf32, #tpu.memory_space<vmem_shared>> -> memref<56x128xf32, #tpu.memory_space<vmem_shared>>
        %dma_wait3A_72 = arith.constant 0 : i32
        %dma_wait3A_73 = arith.constant 0 : i32
        %dma_wait3A_74 = tpu.memref_slice %arg12[%dma_wait3A_72, %dma_wait3A_73] : memref<192x128xf32, #tpu.memory_space<vmem>> -> memref<56x128xf32, #tpu.memory_space<vmem>>
        tpu.wait_dma2 semaphore(%run_scoped3A : memref<!tpu.dma_semaphore, #tpu.memory_space<semaphore_mem>>) src(%dma_wait3A_74 : memref<56x128xf32, #tpu.memory_space<vmem>>) dst(%dma_wait3A_71 : memref<56x128xf32, #tpu.memory_space<vmem_shared>>)
        tpu.yield
      }) : () -> ()
    } else {
    }
    %add3A_14 = arith.constant 0 : i32
    %add3A_15 = arith.addi %mul3A_2, %add3A_14 : i32
    %multiple_of3A = tpu.assume_multiple %add3A_15, 8 : i32
    %add3A_16 = arith.constant 320000 : i32
    %add3A_17 = arith.addi %add3A_16, %mul3A_2 : i32
    %add3A_18 = arith.constant 0 : i32
    %add3A_19 = arith.addi %add3A_17, %add3A_18 : i32
    %multiple_of3A_20 = tpu.assume_multiple %add3A_19, 8 : i32
    "tpu.region"() ({
      %run_scoped3A = tpu.sem_alloc : memref<!tpu.dma_semaphore, #tpu.memory_space<semaphore_mem>>
      %dma_start3A_52 = tpu.memref_slice %arg2[%multiple_of3A] : memref<640000xi32, #tpu.memory_space<hbm>> -> memref<192xi32, #tpu.memory_space<hbm>>
      %dma_start3A_53 = tpu.memref_slice %arg2[%multiple_of3A] : memref<640000xi32, #tpu.memory_space<hbm>> -> memref<192xi32, #tpu.memory_space<hbm>>
      tpu.enqueue_dma source(%dma_start3A_53 : memref<192xi32, #tpu.memory_space<hbm>>) target(%arg6 : memref<192xi32, #tpu.memory_space<vmem>>) target_semaphore(%run_scoped3A : memref<!tpu.dma_semaphore, #tpu.memory_space<semaphore_mem>>)
      %dma_wait3A = tpu.memref_slice %arg2[%multiple_of3A] : memref<640000xi32, #tpu.memory_space<hbm>> -> memref<192xi32, #tpu.memory_space<hbm>>
      %dma_wait3A_54 = tpu.memref_slice %arg2[%multiple_of3A] : memref<640000xi32, #tpu.memory_space<hbm>> -> memref<192xi32, #tpu.memory_space<hbm>>
      tpu.wait_dma2 semaphore(%run_scoped3A : memref<!tpu.dma_semaphore, #tpu.memory_space<semaphore_mem>>) src(%dma_wait3A_54 : memref<192xi32, #tpu.memory_space<hbm>>) dst(%arg6 : memref<192xi32, #tpu.memory_space<vmem>>)
      tpu.yield
    }) : () -> ()
    "tpu.region"() ({
      %run_scoped3A = tpu.sem_alloc : memref<!tpu.dma_semaphore, #tpu.memory_space<semaphore_mem>>
      %dma_start3A_52 = tpu.memref_slice %arg2[%multiple_of3A_20] : memref<640000xi32, #tpu.memory_space<hbm>> -> memref<192xi32, #tpu.memory_space<hbm>>
      %dma_start3A_53 = tpu.memref_slice %arg2[%multiple_of3A_20] : memref<640000xi32, #tpu.memory_space<hbm>> -> memref<192xi32, #tpu.memory_space<hbm>>
      tpu.enqueue_dma source(%dma_start3A_53 : memref<192xi32, #tpu.memory_space<hbm>>) target(%arg8 : memref<192xi32, #tpu.memory_space<vmem>>) target_semaphore(%run_scoped3A : memref<!tpu.dma_semaphore, #tpu.memory_space<semaphore_mem>>)
      %dma_wait3A = tpu.memref_slice %arg2[%multiple_of3A_20] : memref<640000xi32, #tpu.memory_space<hbm>> -> memref<192xi32, #tpu.memory_space<hbm>>
      %dma_wait3A_54 = tpu.memref_slice %arg2[%multiple_of3A_20] : memref<640000xi32, #tpu.memory_space<hbm>> -> memref<192xi32, #tpu.memory_space<hbm>>
      tpu.wait_dma2 semaphore(%run_scoped3A : memref<!tpu.dma_semaphore, #tpu.memory_space<semaphore_mem>>) src(%dma_wait3A_54 : memref<192xi32, #tpu.memory_space<hbm>>) dst(%arg8 : memref<192xi32, #tpu.memory_space<vmem>>)
      tpu.yield
    }) : () -> ()
    %barrier3A = arith.constant 0 : index
    tpu.barrier barrier_id(%barrier3A)
    %dma_start3A = arith.constant 0 : i32
    %dma_start3A_21 = arith.constant 0 : i32
    %dma_start3A_22 = tpu.memref_slice %arg3[%dma_start3A, %dma_start3A_21] : memref<10000x128xf32, #tpu.memory_space<hbm>> -> memref<10000x128xf32, #tpu.memory_space<hbm>>
    tpu.enqueue_indirect_dma source(%dma_start3A_22 : memref<10000x128xf32, #tpu.memory_space<hbm>>) target(%arg12 : memref<192x128xf32, #tpu.memory_space<vmem>>) offsets(%arg6 : memref<192xi32, #tpu.memory_space<vmem>>) semaphore(%arg17 : memref<!tpu.dma_semaphore, #tpu.memory_space<semaphore_mem>>)
    %add3A_23 = arith.constant 192 : i32
    %add3A_24 = arith.addi %mul3A_2, %add3A_23 : i32
    %multiple_of3A_25 = tpu.assume_multiple %add3A_24, 8 : i32
    %add3A_26 = arith.constant 320000 : i32
    %add3A_27 = arith.addi %add3A_26, %mul3A_2 : i32
    %add3A_28 = arith.constant 192 : i32
    %add3A_29 = arith.addi %add3A_27, %add3A_28 : i32
    %multiple_of3A_30 = tpu.assume_multiple %add3A_29, 8 : i32
    %dma_start3A_31 = tpu.memref_slice %arg2[%multiple_of3A_25] : memref<640000xi32, #tpu.memory_space<hbm>> -> memref<192xi32, #tpu.memory_space<hbm>>
    %dma_start3A_32 = tpu.memref_slice %arg2[%multiple_of3A_25] : memref<640000xi32, #tpu.memory_space<hbm>> -> memref<192xi32, #tpu.memory_space<hbm>>
    tpu.enqueue_dma source(%dma_start3A_32 : memref<192xi32, #tpu.memory_space<hbm>>) target(%arg7 : memref<192xi32, #tpu.memory_space<vmem>>) target_semaphore(%arg16 : memref<!tpu.dma_semaphore, #tpu.memory_space<semaphore_mem>>)
    %dma_start3A_33 = tpu.memref_slice %arg2[%multiple_of3A_30] : memref<640000xi32, #tpu.memory_space<hbm>> -> memref<192xi32, #tpu.memory_space<hbm>>
    %dma_start3A_34 = tpu.memref_slice %arg2[%multiple_of3A_30] : memref<640000xi32, #tpu.memory_space<hbm>> -> memref<192xi32, #tpu.memory_space<hbm>>
    tpu.enqueue_dma source(%dma_start3A_34 : memref<192xi32, #tpu.memory_space<hbm>>) target(%arg9 : memref<192xi32, #tpu.memory_space<vmem>>) target_semaphore(%arg16 : memref<!tpu.dma_semaphore, #tpu.memory_space<semaphore_mem>>)
    %scan3A_35 = arith.constant 0 : i32
    %scan3A_36 = arith.constant 0 : i32
    %scan3A_37 = arith.constant 26 : i32
    %scan3A_38 = arith.addi %scan3A_36, %scan3A_37 : i32
    %scan3A_39 = arith.constant 1 : i32
    scf.for %scan3A_52 = %scan3A_36 to %scan3A_38 step %scan3A_39  : i32 {
      %mul3A_53 = arith.constant 2 : i32
      %mul3A_54 = arith.muli %mul3A_53, %scan3A_52 : i32
      %add3A_55 = arith.constant 0 : i32
      %add3A_56 = arith.addi %mul3A_54, %add3A_55 : i32
      %dma_wait3A = arith.constant 0 : i32
      %dma_wait3A_57 = arith.constant 0 : i32
      %dma_wait3A_58 = tpu.memref_slice %arg3[%dma_wait3A, %dma_wait3A_57] : memref<10000x128xf32, #tpu.memory_space<hbm>> -> memref<10000x128xf32, #tpu.memory_space<hbm>>
      tpu.wait_indirect_dma semaphore(%arg17 : memref<!tpu.dma_semaphore, #tpu.memory_space<semaphore_mem>>) src(%dma_wait3A_58 : memref<10000x128xf32, #tpu.memory_space<hbm>>) dst(%arg12 : memref<192x128xf32, #tpu.memory_space<vmem>>)
      %add3A_59 = arith.constant 1 : i32
      %add3A_60 = arith.addi %add3A_56, %add3A_59 : i32
      %lt3A_61 = arith.constant 52 : i32
      %lt3A_62 = arith.cmpi slt, %add3A_60, %lt3A_61 : i32
      %convert_element_type3A_63 = arith.extui %lt3A_62 : i1 to i32
      %cond3A_64 = arith.constant 0 : i32
      %cond3A_65 = arith.cmpi ne, %convert_element_type3A_63, %cond3A_64 : i32
      scf.if %cond3A_65 {
        %add3A_94 = arith.constant 1 : i32
        %add3A_95 = arith.addi %add3A_56, %add3A_94 : i32
        %mul3A_96 = arith.constant 192 : i32
        %mul3A_97 = arith.muli %add3A_95, %mul3A_96 : i32
        %add3A_98 = arith.addi %mul3A_2, %mul3A_97 : i32
        %multiple_of3A_99 = tpu.assume_multiple %add3A_98, 8 : i32
        %add3A_100 = arith.constant 320000 : i32
        %add3A_101 = arith.addi %add3A_100, %mul3A_2 : i32
        %mul3A_102 = arith.constant 192 : i32
        %mul3A_103 = arith.muli %add3A_95, %mul3A_102 : i32
        %add3A_104 = arith.addi %add3A_101, %mul3A_103 : i32
        %multiple_of3A_105 = tpu.assume_multiple %add3A_104, 8 : i32
        %dma_wait3A_106 = tpu.memref_slice %arg2[%multiple_of3A_99] : memref<640000xi32, #tpu.memory_space<hbm>> -> memref<192xi32, #tpu.memory_space<hbm>>
        %dma_wait3A_107 = tpu.memref_slice %arg2[%multiple_of3A_99] : memref<640000xi32, #tpu.memory_space<hbm>> -> memref<192xi32, #tpu.memory_space<hbm>>
        tpu.wait_dma2 semaphore(%arg16 : memref<!tpu.dma_semaphore, #tpu.memory_space<semaphore_mem>>) src(%dma_wait3A_107 : memref<192xi32, #tpu.memory_space<hbm>>) dst(%arg7 : memref<192xi32, #tpu.memory_space<vmem>>)
        %dma_wait3A_108 = tpu.memref_slice %arg2[%multiple_of3A_105] : memref<640000xi32, #tpu.memory_space<hbm>> -> memref<192xi32, #tpu.memory_space<hbm>>
        %dma_wait3A_109 = tpu.memref_slice %arg2[%multiple_of3A_105] : memref<640000xi32, #tpu.memory_space<hbm>> -> memref<192xi32, #tpu.memory_space<hbm>>
        tpu.wait_dma2 semaphore(%arg16 : memref<!tpu.dma_semaphore, #tpu.memory_space<semaphore_mem>>) src(%dma_wait3A_109 : memref<192xi32, #tpu.memory_space<hbm>>) dst(%arg9 : memref<192xi32, #tpu.memory_space<vmem>>)
        %dma_start3A_110 = arith.constant 0 : i32
        %dma_start3A_111 = arith.constant 0 : i32
        %dma_start3A_112 = tpu.memref_slice %arg3[%dma_start3A_110, %dma_start3A_111] : memref<10000x128xf32, #tpu.memory_space<hbm>> -> memref<10000x128xf32, #tpu.memory_space<hbm>>
        tpu.enqueue_indirect_dma source(%dma_start3A_112 : memref<10000x128xf32, #tpu.memory_space<hbm>>) target(%arg13 : memref<192x128xf32, #tpu.memory_space<vmem>>) offsets(%arg7 : memref<192xi32, #tpu.memory_space<vmem>>) semaphore(%arg18 : memref<!tpu.dma_semaphore, #tpu.memory_space<semaphore_mem>>)
      } else {
      }
      "tpu.region"() ({
        %run_scoped3A = tpu.sem_alloc : memref<!tpu.dma_semaphore, #tpu.memory_space<semaphore_mem>>
        %dma_start3A_94 = arith.constant 0 : i32
        %dma_start3A_95 = arith.constant 0 : i32
        %dma_start3A_96 = tpu.memref_slice %arg14[%dma_start3A_94, %dma_start3A_95] : memref<10016x128xf32, #tpu.memory_space<vmem_shared>> -> memref<10016x128xf32, #tpu.memory_space<vmem_shared>>
        tpu.enqueue_indirect_dma source(%arg12 : memref<192x128xf32, #tpu.memory_space<vmem>>) target(%dma_start3A_96 : memref<10016x128xf32, #tpu.memory_space<vmem_shared>>) offsets(%arg8 : memref<192xi32, #tpu.memory_space<vmem>>) semaphore(%run_scoped3A : memref<!tpu.dma_semaphore, #tpu.memory_space<semaphore_mem>>) {add = true}
        %dma_wait3A_97 = arith.constant 0 : i32
        %dma_wait3A_98 = arith.constant 0 : i32
        %dma_wait3A_99 = tpu.memref_slice %arg14[%dma_wait3A_97, %dma_wait3A_98] : memref<10016x128xf32, #tpu.memory_space<vmem_shared>> -> memref<10016x128xf32, #tpu.memory_space<vmem_shared>>
        tpu.wait_indirect_dma semaphore(%run_scoped3A : memref<!tpu.dma_semaphore, #tpu.memory_space<semaphore_mem>>) src(%arg12 : memref<192x128xf32, #tpu.memory_space<vmem>>) dst(%dma_wait3A_99 : memref<10016x128xf32, #tpu.memory_space<vmem_shared>>)
        tpu.yield
      }) : () -> ()
      %add3A_66 = arith.constant 2 : i32
      %add3A_67 = arith.addi %add3A_56, %add3A_66 : i32
      %lt3A_68 = arith.constant 52 : i32
      %lt3A_69 = arith.cmpi slt, %add3A_67, %lt3A_68 : i32
      %convert_element_type3A_70 = arith.extui %lt3A_69 : i1 to i32
      %cond3A_71 = arith.constant 0 : i32
      %cond3A_72 = arith.cmpi ne, %convert_element_type3A_70, %cond3A_71 : i32
      scf.if %cond3A_72 {
        %add3A_94 = arith.constant 2 : i32
        %add3A_95 = arith.addi %add3A_56, %add3A_94 : i32
        %mul3A_96 = arith.constant 192 : i32
        %mul3A_97 = arith.muli %add3A_95, %mul3A_96 : i32
        %add3A_98 = arith.addi %mul3A_2, %mul3A_97 : i32
        %multiple_of3A_99 = tpu.assume_multiple %add3A_98, 8 : i32
        %add3A_100 = arith.constant 320000 : i32
        %add3A_101 = arith.addi %add3A_100, %mul3A_2 : i32
        %mul3A_102 = arith.constant 192 : i32
        %mul3A_103 = arith.muli %add3A_95, %mul3A_102 : i32
        %add3A_104 = arith.addi %add3A_101, %mul3A_103 : i32
        %multiple_of3A_105 = tpu.assume_multiple %add3A_104, 8 : i32
        %dma_start3A_106 = tpu.memref_slice %arg2[%multiple_of3A_99] : memref<640000xi32, #tpu.memory_space<hbm>> -> memref<192xi32, #tpu.memory_space<hbm>>
        %dma_start3A_107 = tpu.memref_slice %arg2[%multiple_of3A_99] : memref<640000xi32, #tpu.memory_space<hbm>> -> memref<192xi32, #tpu.memory_space<hbm>>
        tpu.enqueue_dma source(%dma_start3A_107 : memref<192xi32, #tpu.memory_space<hbm>>) target(%arg6 : memref<192xi32, #tpu.memory_space<vmem>>) target_semaphore(%arg15 : memref<!tpu.dma_semaphore, #tpu.memory_space<semaphore_mem>>)
        %dma_start3A_108 = tpu.memref_slice %arg2[%multiple_of3A_105] : memref<640000xi32, #tpu.memory_space<hbm>> -> memref<192xi32, #tpu.memory_space<hbm>>
        %dma_start3A_109 = tpu.memref_slice %arg2[%multiple_of3A_105] : memref<640000xi32, #tpu.memory_space<hbm>> -> memref<192xi32, #tpu.memory_space<hbm>>
        tpu.enqueue_dma source(%dma_start3A_109 : memref<192xi32, #tpu.memory_space<hbm>>) target(%arg8 : memref<192xi32, #tpu.memory_space<vmem>>) target_semaphore(%arg15 : memref<!tpu.dma_semaphore, #tpu.memory_space<semaphore_mem>>)
      } else {
      }
      %mul3A_73 = arith.constant 2 : i32
      %mul3A_74 = arith.muli %mul3A_73, %scan3A_52 : i32
      %add3A_75 = arith.constant 1 : i32
      %add3A_76 = arith.addi %mul3A_74, %add3A_75 : i32
      %dma_wait3A_77 = arith.constant 0 : i32
      %dma_wait3A_78 = arith.constant 0 : i32
      %dma_wait3A_79 = tpu.memref_slice %arg3[%dma_wait3A_77, %dma_wait3A_78] : memref<10000x128xf32, #tpu.memory_space<hbm>> -> memref<10000x128xf32, #tpu.memory_space<hbm>>
      tpu.wait_indirect_dma semaphore(%arg18 : memref<!tpu.dma_semaphore, #tpu.memory_space<semaphore_mem>>) src(%dma_wait3A_79 : memref<10000x128xf32, #tpu.memory_space<hbm>>) dst(%arg13 : memref<192x128xf32, #tpu.memory_space<vmem>>)
      %add3A_80 = arith.constant 1 : i32
      %add3A_81 = arith.addi %add3A_76, %add3A_80 : i32
      %lt3A_82 = arith.constant 52 : i32
      %lt3A_83 = arith.cmpi slt, %add3A_81, %lt3A_82 : i32
      %convert_element_type3A_84 = arith.extui %lt3A_83 : i1 to i32
      %cond3A_85 = arith.constant 0 : i32
      %cond3A_86 = arith.cmpi ne, %convert_element_type3A_84, %cond3A_85 : i32
      scf.if %cond3A_86 {
        %add3A_94 = arith.constant 1 : i32
        %add3A_95 = arith.addi %add3A_76, %add3A_94 : i32
        %mul3A_96 = arith.constant 192 : i32
        %mul3A_97 = arith.muli %add3A_95, %mul3A_96 : i32
        %add3A_98 = arith.addi %mul3A_2, %mul3A_97 : i32
        %multiple_of3A_99 = tpu.assume_multiple %add3A_98, 8 : i32
        %add3A_100 = arith.constant 320000 : i32
        %add3A_101 = arith.addi %add3A_100, %mul3A_2 : i32
        %mul3A_102 = arith.constant 192 : i32
        %mul3A_103 = arith.muli %add3A_95, %mul3A_102 : i32
        %add3A_104 = arith.addi %add3A_101, %mul3A_103 : i32
        %multiple_of3A_105 = tpu.assume_multiple %add3A_104, 8 : i32
        %dma_wait3A_106 = tpu.memref_slice %arg2[%multiple_of3A_99] : memref<640000xi32, #tpu.memory_space<hbm>> -> memref<192xi32, #tpu.memory_space<hbm>>
        %dma_wait3A_107 = tpu.memref_slice %arg2[%multiple_of3A_99] : memref<640000xi32, #tpu.memory_space<hbm>> -> memref<192xi32, #tpu.memory_space<hbm>>
        tpu.wait_dma2 semaphore(%arg15 : memref<!tpu.dma_semaphore, #tpu.memory_space<semaphore_mem>>) src(%dma_wait3A_107 : memref<192xi32, #tpu.memory_space<hbm>>) dst(%arg6 : memref<192xi32, #tpu.memory_space<vmem>>)
        %dma_wait3A_108 = tpu.memref_slice %arg2[%multiple_of3A_105] : memref<640000xi32, #tpu.memory_space<hbm>> -> memref<192xi32, #tpu.memory_space<hbm>>
        %dma_wait3A_109 = tpu.memref_slice %arg2[%multiple_of3A_105] : memref<640000xi32, #tpu.memory_space<hbm>> -> memref<192xi32, #tpu.memory_space<hbm>>
        tpu.wait_dma2 semaphore(%arg15 : memref<!tpu.dma_semaphore, #tpu.memory_space<semaphore_mem>>) src(%dma_wait3A_109 : memref<192xi32, #tpu.memory_space<hbm>>) dst(%arg8 : memref<192xi32, #tpu.memory_space<vmem>>)
        %dma_start3A_110 = arith.constant 0 : i32
        %dma_start3A_111 = arith.constant 0 : i32
        %dma_start3A_112 = tpu.memref_slice %arg3[%dma_start3A_110, %dma_start3A_111] : memref<10000x128xf32, #tpu.memory_space<hbm>> -> memref<10000x128xf32, #tpu.memory_space<hbm>>
        tpu.enqueue_indirect_dma source(%dma_start3A_112 : memref<10000x128xf32, #tpu.memory_space<hbm>>) target(%arg12 : memref<192x128xf32, #tpu.memory_space<vmem>>) offsets(%arg6 : memref<192xi32, #tpu.memory_space<vmem>>) semaphore(%arg17 : memref<!tpu.dma_semaphore, #tpu.memory_space<semaphore_mem>>)
      } else {
      }
      "tpu.region"() ({
        %run_scoped3A = tpu.sem_alloc : memref<!tpu.dma_semaphore, #tpu.memory_space<semaphore_mem>>
        %dma_start3A_94 = arith.constant 0 : i32
        %dma_start3A_95 = arith.constant 0 : i32
        %dma_start3A_96 = tpu.memref_slice %arg14[%dma_start3A_94, %dma_start3A_95] : memref<10016x128xf32, #tpu.memory_space<vmem_shared>> -> memref<10016x128xf32, #tpu.memory_space<vmem_shared>>
        tpu.enqueue_indirect_dma source(%arg13 : memref<192x128xf32, #tpu.memory_space<vmem>>) target(%dma_start3A_96 : memref<10016x128xf32, #tpu.memory_space<vmem_shared>>) offsets(%arg9 : memref<192xi32, #tpu.memory_space<vmem>>) semaphore(%run_scoped3A : memref<!tpu.dma_semaphore, #tpu.memory_space<semaphore_mem>>) {add = true}
        %dma_wait3A_97 = arith.constant 0 : i32
        %dma_wait3A_98 = arith.constant 0 : i32
        %dma_wait3A_99 = tpu.memref_slice %arg14[%dma_wait3A_97, %dma_wait3A_98] : memref<10016x128xf32, #tpu.memory_space<vmem_shared>> -> memref<10016x128xf32, #tpu.memory_space<vmem_shared>>
        tpu.wait_indirect_dma semaphore(%run_scoped3A : memref<!tpu.dma_semaphore, #tpu.memory_space<semaphore_mem>>) src(%arg13 : memref<192x128xf32, #tpu.memory_space<vmem>>) dst(%dma_wait3A_99 : memref<10016x128xf32, #tpu.memory_space<vmem_shared>>)
        tpu.yield
      }) : () -> ()
      %add3A_87 = arith.constant 2 : i32
      %add3A_88 = arith.addi %add3A_76, %add3A_87 : i32
      %lt3A_89 = arith.constant 52 : i32
      %lt3A_90 = arith.cmpi slt, %add3A_88, %lt3A_89 : i32
      %convert_element_type3A_91 = arith.extui %lt3A_90 : i1 to i32
      %cond3A_92 = arith.constant 0 : i32
      %cond3A_93 = arith.cmpi ne, %convert_element_type3A_91, %cond3A_92 : i32
      scf.if %cond3A_93 {
        %add3A_94 = arith.constant 2 : i32
        %add3A_95 = arith.addi %add3A_76, %add3A_94 : i32
        %mul3A_96 = arith.constant 192 : i32
        %mul3A_97 = arith.muli %add3A_95, %mul3A_96 : i32
        %add3A_98 = arith.addi %mul3A_2, %mul3A_97 : i32
        %multiple_of3A_99 = tpu.assume_multiple %add3A_98, 8 : i32
        %add3A_100 = arith.constant 320000 : i32
        %add3A_101 = arith.addi %add3A_100, %mul3A_2 : i32
        %mul3A_102 = arith.constant 192 : i32
        %mul3A_103 = arith.muli %add3A_95, %mul3A_102 : i32
        %add3A_104 = arith.addi %add3A_101, %mul3A_103 : i32
        %multiple_of3A_105 = tpu.assume_multiple %add3A_104, 8 : i32
        %dma_start3A_106 = tpu.memref_slice %arg2[%multiple_of3A_99] : memref<640000xi32, #tpu.memory_space<hbm>> -> memref<192xi32, #tpu.memory_space<hbm>>
        %dma_start3A_107 = tpu.memref_slice %arg2[%multiple_of3A_99] : memref<640000xi32, #tpu.memory_space<hbm>> -> memref<192xi32, #tpu.memory_space<hbm>>
        tpu.enqueue_dma source(%dma_start3A_107 : memref<192xi32, #tpu.memory_space<hbm>>) target(%arg7 : memref<192xi32, #tpu.memory_space<vmem>>) target_semaphore(%arg16 : memref<!tpu.dma_semaphore, #tpu.memory_space<semaphore_mem>>)
        %dma_start3A_108 = tpu.memref_slice %arg2[%multiple_of3A_105] : memref<640000xi32, #tpu.memory_space<hbm>> -> memref<192xi32, #tpu.memory_space<hbm>>
        %dma_start3A_109 = tpu.memref_slice %arg2[%multiple_of3A_105] : memref<640000xi32, #tpu.memory_space<hbm>> -> memref<192xi32, #tpu.memory_space<hbm>>
        tpu.enqueue_dma source(%dma_start3A_109 : memref<192xi32, #tpu.memory_space<hbm>>) target(%arg9 : memref<192xi32, #tpu.memory_space<vmem>>) target_semaphore(%arg16 : memref<!tpu.dma_semaphore, #tpu.memory_space<semaphore_mem>>)
      } else {
      }
    }
    %scan3A_40 = arith.constant 26 : i32
    %add3A_41 = arith.constant 9984 : i32
    %add3A_42 = arith.addi %mul3A_2, %add3A_41 : i32
    %multiple_of3A_43 = tpu.assume_multiple %add3A_42, 8 : i32
    "tpu.region"() ({
      %run_scoped3A = tpu.sem_alloc : memref<!tpu.dma_semaphore, #tpu.memory_space<semaphore_mem>>
      %dma_start3A_52 = tpu.memref_slice %arg2[%multiple_of3A_43] : memref<640000xi32, #tpu.memory_space<hbm>> -> memref<16xi32, #tpu.memory_space<hbm>>
      %dma_start3A_53 = tpu.memref_slice %arg2[%multiple_of3A_43] : memref<640000xi32, #tpu.memory_space<hbm>> -> memref<16xi32, #tpu.memory_space<hbm>>
      tpu.enqueue_dma source(%dma_start3A_53 : memref<16xi32, #tpu.memory_space<hbm>>) target(%arg10 : memref<16xi32, #tpu.memory_space<vmem>>) target_semaphore(%run_scoped3A : memref<!tpu.dma_semaphore, #tpu.memory_space<semaphore_mem>>)
      %dma_wait3A = tpu.memref_slice %arg2[%multiple_of3A_43] : memref<640000xi32, #tpu.memory_space<hbm>> -> memref<16xi32, #tpu.memory_space<hbm>>
      %dma_wait3A_54 = tpu.memref_slice %arg2[%multiple_of3A_43] : memref<640000xi32, #tpu.memory_space<hbm>> -> memref<16xi32, #tpu.memory_space<hbm>>
      tpu.wait_dma2 semaphore(%run_scoped3A : memref<!tpu.dma_semaphore, #tpu.memory_space<semaphore_mem>>) src(%dma_wait3A_54 : memref<16xi32, #tpu.memory_space<hbm>>) dst(%arg10 : memref<16xi32, #tpu.memory_space<vmem>>)
      tpu.yield
    }) : () -> ()
    %add3A_44 = arith.constant 320000 : i32
    %add3A_45 = arith.addi %add3A_44, %multiple_of3A_43 : i32
    "tpu.region"() ({
      %run_scoped3A = tpu.sem_alloc : memref<!tpu.dma_semaphore, #tpu.memory_space<semaphore_mem>>
      %dma_start3A_52 = tpu.memref_slice %arg2[%add3A_45] : memref<640000xi32, #tpu.memory_space<hbm>> -> memref<16xi32, #tpu.memory_space<hbm>>
      %dma_start3A_53 = tpu.memref_slice %arg2[%add3A_45] : memref<640000xi32, #tpu.memory_space<hbm>> -> memref<16xi32, #tpu.memory_space<hbm>>
      tpu.enqueue_dma source(%dma_start3A_53 : memref<16xi32, #tpu.memory_space<hbm>>) target(%arg11 : memref<16xi32, #tpu.memory_space<vmem>>) target_semaphore(%run_scoped3A : memref<!tpu.dma_semaphore, #tpu.memory_space<semaphore_mem>>)
      %dma_wait3A = tpu.memref_slice %arg2[%add3A_45] : memref<640000xi32, #tpu.memory_space<hbm>> -> memref<16xi32, #tpu.memory_space<hbm>>
      %dma_wait3A_54 = tpu.memref_slice %arg2[%add3A_45] : memref<640000xi32, #tpu.memory_space<hbm>> -> memref<16xi32, #tpu.memory_space<hbm>>
      tpu.wait_dma2 semaphore(%run_scoped3A : memref<!tpu.dma_semaphore, #tpu.memory_space<semaphore_mem>>) src(%dma_wait3A_54 : memref<16xi32, #tpu.memory_space<hbm>>) dst(%arg11 : memref<16xi32, #tpu.memory_space<vmem>>)
      tpu.yield
    }) : () -> ()
    "tpu.region"() ({
      %run_scoped3A = tpu.sem_alloc : memref<!tpu.dma_semaphore, #tpu.memory_space<semaphore_mem>>
      %dma_start3A_52 = arith.constant 0 : i32
      %dma_start3A_53 = arith.constant 0 : i32
      %dma_start3A_54 = tpu.memref_slice %arg12[%dma_start3A_52, %dma_start3A_53] : memref<192x128xf32, #tpu.memory_space<vmem>> -> memref<16x128xf32, #tpu.memory_space<vmem>>
      %dma_start3A_55 = arith.constant 0 : i32
      %dma_start3A_56 = arith.constant 0 : i32
      %dma_start3A_57 = tpu.memref_slice %arg3[%dma_start3A_55, %dma_start3A_56] : memref<10000x128xf32, #tpu.memory_space<hbm>> -> memref<10000x128xf32, #tpu.memory_space<hbm>>
      tpu.enqueue_indirect_dma source(%dma_start3A_57 : memref<10000x128xf32, #tpu.memory_space<hbm>>) target(%dma_start3A_54 : memref<16x128xf32, #tpu.memory_space<vmem>>) offsets(%arg10 : memref<16xi32, #tpu.memory_space<vmem>>) semaphore(%run_scoped3A : memref<!tpu.dma_semaphore, #tpu.memory_space<semaphore_mem>>)
      %dma_wait3A = arith.constant 0 : i32
      %dma_wait3A_58 = arith.constant 0 : i32
      %dma_wait3A_59 = tpu.memref_slice %arg12[%dma_wait3A, %dma_wait3A_58] : memref<192x128xf32, #tpu.memory_space<vmem>> -> memref<16x128xf32, #tpu.memory_space<vmem>>
      %dma_wait3A_60 = arith.constant 0 : i32
      %dma_wait3A_61 = arith.constant 0 : i32
      %dma_wait3A_62 = tpu.memref_slice %arg3[%dma_wait3A_60, %dma_wait3A_61] : memref<10000x128xf32, #tpu.memory_space<hbm>> -> memref<10000x128xf32, #tpu.memory_space<hbm>>
      tpu.wait_indirect_dma semaphore(%run_scoped3A : memref<!tpu.dma_semaphore, #tpu.memory_space<semaphore_mem>>) src(%dma_wait3A_62 : memref<10000x128xf32, #tpu.memory_space<hbm>>) dst(%dma_wait3A_59 : memref<16x128xf32, #tpu.memory_space<vmem>>)
      tpu.yield
    }) : () -> ()
    "tpu.region"() ({
      %run_scoped3A = tpu.sem_alloc : memref<!tpu.dma_semaphore, #tpu.memory_space<semaphore_mem>>
      %dma_start3A_52 = arith.constant 0 : i32
      %dma_start3A_53 = arith.constant 0 : i32
      %dma_start3A_54 = tpu.memref_slice %arg12[%dma_start3A_52, %dma_start3A_53] : memref<192x128xf32, #tpu.memory_space<vmem>> -> memref<16x128xf32, #tpu.memory_space<vmem>>
      %dma_start3A_55 = arith.constant 0 : i32
      %dma_start3A_56 = arith.constant 0 : i32
      %dma_start3A_57 = tpu.memref_slice %arg14[%dma_start3A_55, %dma_start3A_56] : memref<10016x128xf32, #tpu.memory_space<vmem_shared>> -> memref<10016x128xf32, #tpu.memory_space<vmem_shared>>
      tpu.enqueue_indirect_dma source(%dma_start3A_54 : memref<16x128xf32, #tpu.memory_space<vmem>>) target(%dma_start3A_57 : memref<10016x128xf32, #tpu.memory_space<vmem_shared>>) offsets(%arg11 : memref<16xi32, #tpu.memory_space<vmem>>) semaphore(%run_scoped3A : memref<!tpu.dma_semaphore, #tpu.memory_space<semaphore_mem>>) {add = true}
      %dma_wait3A = arith.constant 0 : i32
      %dma_wait3A_58 = arith.constant 0 : i32
      %dma_wait3A_59 = tpu.memref_slice %arg12[%dma_wait3A, %dma_wait3A_58] : memref<192x128xf32, #tpu.memory_space<vmem>> -> memref<16x128xf32, #tpu.memory_space<vmem>>
      %dma_wait3A_60 = arith.constant 0 : i32
      %dma_wait3A_61 = arith.constant 0 : i32
      %dma_wait3A_62 = tpu.memref_slice %arg14[%dma_wait3A_60, %dma_wait3A_61] : memref<10016x128xf32, #tpu.memory_space<vmem_shared>> -> memref<10016x128xf32, #tpu.memory_space<vmem_shared>>
      tpu.wait_indirect_dma semaphore(%run_scoped3A : memref<!tpu.dma_semaphore, #tpu.memory_space<semaphore_mem>>) src(%dma_wait3A_59 : memref<16x128xf32, #tpu.memory_space<vmem>>) dst(%dma_wait3A_62 : memref<10016x128xf32, #tpu.memory_space<vmem_shared>>)
      tpu.yield
    }) : () -> ()
    %barrier3A_46 = arith.constant 0 : index
    tpu.barrier barrier_id(%barrier3A_46)
    %lt3A_47 = arith.constant 4 : i32
    %lt3A_48 = arith.cmpi slt, %arg1, %lt3A_47 : i32
    %convert_element_type3A_49 = arith.extui %lt3A_48 : i1 to i32
    %cond3A_50 = arith.constant 0 : i32
    %cond3A_51 = arith.cmpi ne, %convert_element_type3A_49, %cond3A_50 : i32
    scf.if %cond3A_51 {
      %mul3A_52 = arith.constant 2504 : i32
      %mul3A_53 = arith.muli %arg1, %mul3A_52 : i32
      %multiple_of3A_54 = tpu.assume_multiple %mul3A_53, 8 : i32
      %eq3A_55 = arith.constant 0 : i32
      %eq3A_56 = arith.cmpi eq, %arg0, %eq3A_55 : i32
      %convert_element_type3A_57 = arith.extui %eq3A_56 : i1 to i32
      %cond3A_58 = arith.constant 0 : i32
      %cond3A_59 = arith.cmpi ne, %convert_element_type3A_57, %cond3A_58 : i32
      scf.if %cond3A_59 {
        "tpu.region"() ({
          %run_scoped3A = tpu.sem_alloc : memref<!tpu.dma_semaphore, #tpu.memory_space<semaphore_mem>>
          %dma_start3A_65 = arith.constant 0 : i32
          %dma_start3A_66 = tpu.memref_slice %arg4[%multiple_of3A_54, %dma_start3A_65] : memref<10016x128xf32, #tpu.memory_space<hbm>> -> memref<2504x128xf32, #tpu.memory_space<hbm>>
          %dma_start3A_67 = arith.constant 0 : i32
          %dma_start3A_68 = tpu.memref_slice %arg14[%multiple_of3A_54, %dma_start3A_67] : memref<10016x128xf32, #tpu.memory_space<vmem_shared>> -> memref<2504x128xf32, #tpu.memory_space<vmem_shared>>
          tpu.enqueue_dma source(%dma_start3A_68 : memref<2504x128xf32, #tpu.memory_space<vmem_shared>>) target(%dma_start3A_66 : memref<2504x128xf32, #tpu.memory_space<hbm>>) target_semaphore(%run_scoped3A : memref<!tpu.dma_semaphore, #tpu.memory_space<semaphore_mem>>)
          %dma_wait3A = arith.constant 0 : i32
          %dma_wait3A_69 = tpu.memref_slice %arg4[%multiple_of3A_54, %dma_wait3A] : memref<10016x128xf32, #tpu.memory_space<hbm>> -> memref<2504x128xf32, #tpu.memory_space<hbm>>
          %dma_wait3A_70 = arith.constant 0 : i32
          %dma_wait3A_71 = tpu.memref_slice %arg14[%multiple_of3A_54, %dma_wait3A_70] : memref<10016x128xf32, #tpu.memory_space<vmem_shared>> -> memref<2504x128xf32, #tpu.memory_space<vmem_shared>>
          tpu.wait_dma2 semaphore(%run_scoped3A : memref<!tpu.dma_semaphore, #tpu.memory_space<semaphore_mem>>) src(%dma_wait3A_71 : memref<2504x128xf32, #tpu.memory_space<vmem_shared>>) dst(%dma_wait3A_69 : memref<2504x128xf32, #tpu.memory_space<hbm>>)
          tpu.yield
        }) : () -> ()
      } else {
      }
      %eq3A_60 = arith.constant 1 : i32
      %eq3A_61 = arith.cmpi eq, %arg0, %eq3A_60 : i32
      %convert_element_type3A_62 = arith.extui %eq3A_61 : i1 to i32
      %cond3A_63 = arith.constant 0 : i32
      %cond3A_64 = arith.cmpi ne, %convert_element_type3A_62, %cond3A_63 : i32
      scf.if %cond3A_64 {
        "tpu.region"() ({
          %run_scoped3A = tpu.sem_alloc : memref<!tpu.dma_semaphore, #tpu.memory_space<semaphore_mem>>
          %dma_start3A_65 = arith.constant 0 : i32
          %dma_start3A_66 = tpu.memref_slice %arg5[%multiple_of3A_54, %dma_start3A_65] : memref<10016x128xf32, #tpu.memory_space<hbm>> -> memref<2504x128xf32, #tpu.memory_space<hbm>>
          %dma_start3A_67 = arith.constant 0 : i32
          %dma_start3A_68 = tpu.memref_slice %arg14[%multiple_of3A_54, %dma_start3A_67] : memref<10016x128xf32, #tpu.memory_space<vmem_shared>> -> memref<2504x128xf32, #tpu.memory_space<vmem_shared>>
          tpu.enqueue_dma source(%dma_start3A_68 : memref<2504x128xf32, #tpu.memory_space<vmem_shared>>) target(%dma_start3A_66 : memref<2504x128xf32, #tpu.memory_space<hbm>>) target_semaphore(%run_scoped3A : memref<!tpu.dma_semaphore, #tpu.memory_space<semaphore_mem>>)
          %dma_wait3A = arith.constant 0 : i32
          %dma_wait3A_69 = tpu.memref_slice %arg5[%multiple_of3A_54, %dma_wait3A] : memref<10016x128xf32, #tpu.memory_space<hbm>> -> memref<2504x128xf32, #tpu.memory_space<hbm>>
          %dma_wait3A_70 = arith.constant 0 : i32
          %dma_wait3A_71 = tpu.memref_slice %arg14[%multiple_of3A_54, %dma_wait3A_70] : memref<10016x128xf32, #tpu.memory_space<vmem_shared>> -> memref<2504x128xf32, #tpu.memory_space<vmem_shared>>
          tpu.wait_dma2 semaphore(%run_scoped3A : memref<!tpu.dma_semaphore, #tpu.memory_space<semaphore_mem>>) src(%dma_wait3A_71 : memref<2504x128xf32, #tpu.memory_space<vmem_shared>>) dst(%dma_wait3A_69 : memref<2504x128xf32, #tpu.memory_space<hbm>>)
          tpu.yield
        }) : () -> ()
      } else {
      }
    } else {
    }
    return
  }
}

#map = affine_map<(d0, d1) -> (0)>
module attributes {stable_mosaic.version = 14 : i64} {
  func.func @_deg_kernel(%arg0: i32, %arg1: i32, %arg2: memref<640000xi32, #tpu.memory_space<hbm>>, %arg3: memref<10016xf32, #tpu.memory_space<hbm>>, %arg4: memref<10016xf32, #tpu.memory_space<hbm>>, %arg5: memref<20000xi32, #tpu.memory_space<vmem>>, %arg6: memref<20000xf32, #tpu.memory_space<vmem>>, %arg7: memref<10016xf32, #tpu.memory_space<vmem>>, %arg8: memref<10016xf32, #tpu.memory_space<vmem_shared>>) attributes {dimension_semantics = [#tpu.dimension_semantics<core_parallel>, #tpu.dimension_semantics<subcore_parallel>], iteration_bounds = array<i64: 2, 16>, scalar_prefetch = 0 : i64, scratch_operands = 4 : i64, tpu.core_type = #tpu.core_type<sc_vector_subcore>, window_params = [{transform_indices = #map}, {transform_indices = #map}, {transform_indices = #map}]} {
    %mul3A = arith.constant 320000 : i32
    %mul3A_0 = arith.muli %arg0, %mul3A : i32
    %mul3A_1 = arith.constant 20000 : i32
    %mul3A_2 = arith.muli %arg1, %mul3A_1 : i32
    %add3A = arith.addi %mul3A_0, %mul3A_2 : i32
    %multiple_of3A = tpu.assume_multiple %add3A, 8 : i32
    "tpu.region"() ({
      %run_scoped3A = tpu.sem_alloc : memref<!tpu.dma_semaphore, #tpu.memory_space<semaphore_mem>>
      %dma_start3A = tpu.memref_slice %arg2[%multiple_of3A] : memref<640000xi32, #tpu.memory_space<hbm>> -> memref<20000xi32, #tpu.memory_space<hbm>>
      %dma_start3A_16 = tpu.memref_slice %arg2[%multiple_of3A] : memref<640000xi32, #tpu.memory_space<hbm>> -> memref<20000xi32, #tpu.memory_space<hbm>>
      tpu.enqueue_dma source(%dma_start3A_16 : memref<20000xi32, #tpu.memory_space<hbm>>) target(%arg5 : memref<20000xi32, #tpu.memory_space<vmem>>) target_semaphore(%run_scoped3A : memref<!tpu.dma_semaphore, #tpu.memory_space<semaphore_mem>>)
      %dma_wait3A = tpu.memref_slice %arg2[%multiple_of3A] : memref<640000xi32, #tpu.memory_space<hbm>> -> memref<20000xi32, #tpu.memory_space<hbm>>
      %dma_wait3A_17 = tpu.memref_slice %arg2[%multiple_of3A] : memref<640000xi32, #tpu.memory_space<hbm>> -> memref<20000xi32, #tpu.memory_space<hbm>>
      tpu.wait_dma2 semaphore(%run_scoped3A : memref<!tpu.dma_semaphore, #tpu.memory_space<semaphore_mem>>) src(%dma_wait3A_17 : memref<20000xi32, #tpu.memory_space<hbm>>) dst(%arg5 : memref<20000xi32, #tpu.memory_space<vmem>>)
      tpu.yield
    }) : () -> ()
    %scan3A = arith.constant 0 : i32
    %scan3A_3 = arith.constant 0 : i32
    %scan3A_4 = arith.constant 1250 : i32
    %scan3A_5 = arith.addi %scan3A_3, %scan3A_4 : i32
    %scan3A_6 = arith.constant 1 : i32
    scf.for %scan3A_16 = %scan3A_3 to %scan3A_5 step %scan3A_6  : i32 {
      %broadcast_in_dim3A = arith.constant 1.000000e+00 : f32
      %broadcast_in_dim3A_17 = vector.broadcast %broadcast_in_dim3A : f32 to vector<16xf32>
      %mul3A_18 = arith.constant 16 : i32
      %mul3A_19 = arith.muli %scan3A_16, %mul3A_18 : i32
      %swap3A = arith.index_cast %mul3A_19 : i32 to index
      %swap3A_20 = tpu.vector_load %arg6[%swap3A] {strides = array<i32>} : memref<20000xf32, #tpu.memory_space<vmem>>, vector<16xf32>,
      %swap3A_21 = vector.shape_cast %swap3A_20 : vector<16xf32> to vector<16xf32>
      %swap3A_22 = vector.shape_cast %broadcast_in_dim3A_17 : vector<16xf32> to vector<16xf32>
      tpu.vector_store %arg6[%swap3A], %swap3A_22 {strides = array<i32>} : memref<20000xf32, #tpu.memory_space<vmem>>, vector<16xf32>,
    }
    %scan3A_7 = arith.constant 1250 : i32
    %eq3A = arith.constant 0 : i32
    %eq3A_8 = arith.cmpi eq, %arg1, %eq3A : i32
    %convert_element_type3A = arith.extui %eq3A_8 : i1 to i32
    %cond3A = arith.constant 0 : i32
    %cond3A_9 = arith.cmpi ne, %convert_element_type3A, %cond3A : i32
    scf.if %cond3A_9 {
      %scan3A_16 = arith.constant 0 : i32
      %scan3A_17 = arith.constant 0 : i32
      %scan3A_18 = arith.constant 626 : i32
      %scan3A_19 = arith.addi %scan3A_17, %scan3A_18 : i32
      %scan3A_20 = arith.constant 1 : i32
      scf.for %scan3A_22 = %scan3A_17 to %scan3A_19 step %scan3A_20  : i32 {
        %broadcast_in_dim3A = arith.constant 0.000000e+00 : f32
        %broadcast_in_dim3A_23 = vector.broadcast %broadcast_in_dim3A : f32 to vector<16xf32>
        %mul3A_24 = arith.constant 16 : i32
        %mul3A_25 = arith.muli %scan3A_22, %mul3A_24 : i32
        %swap3A = arith.index_cast %mul3A_25 : i32 to index
        %swap3A_26 = tpu.vector_load %arg7[%swap3A] {strides = array<i32>} : memref<10016xf32, #tpu.memory_space<vmem>>, vector<16xf32>,
        %swap3A_27 = vector.shape_cast %swap3A_26 : vector<16xf32> to vector<16xf32>
        %swap3A_28 = vector.shape_cast %broadcast_in_dim3A_23 : vector<16xf32> to vector<16xf32>
        tpu.vector_store %arg7[%swap3A], %swap3A_28 {strides = array<i32>} : memref<10016xf32, #tpu.memory_space<vmem>>, vector<16xf32>,
      }
      %scan3A_21 = arith.constant 626 : i32
      "tpu.region"() ({
        %run_scoped3A = tpu.sem_alloc : memref<!tpu.dma_semaphore, #tpu.memory_space<semaphore_mem>>
        tpu.enqueue_dma source(%arg7 : memref<10016xf32, #tpu.memory_space<vmem>>) target(%arg8 : memref<10016xf32, #tpu.memory_space<vmem_shared>>) target_semaphore(%run_scoped3A : memref<!tpu.dma_semaphore, #tpu.memory_space<semaphore_mem>>)
        tpu.wait_dma2 semaphore(%run_scoped3A : memref<!tpu.dma_semaphore, #tpu.memory_space<semaphore_mem>>) src(%arg7 : memref<10016xf32, #tpu.memory_space<vmem>>) dst(%arg8 : memref<10016xf32, #tpu.memory_space<vmem_shared>>)
        tpu.yield
      }) : () -> ()
    } else {
    }
    %barrier3A = arith.constant 0 : index
    tpu.barrier barrier_id(%barrier3A)
    "tpu.region"() ({
      %run_scoped3A = tpu.sem_alloc : memref<!tpu.dma_semaphore, #tpu.memory_space<semaphore_mem>>
      %dma_start3A = arith.constant 0 : i32
      %dma_start3A_16 = tpu.memref_slice %arg8[%dma_start3A] : memref<10016xf32, #tpu.memory_space<vmem_shared>> -> memref<10016xf32, #tpu.memory_space<vmem_shared>>
      tpu.enqueue_indirect_dma source(%arg6 : memref<20000xf32, #tpu.memory_space<vmem>>) target(%dma_start3A_16 : memref<10016xf32, #tpu.memory_space<vmem_shared>>) offsets(%arg5 : memref<20000xi32, #tpu.memory_space<vmem>>) semaphore(%run_scoped3A : memref<!tpu.dma_semaphore, #tpu.memory_space<semaphore_mem>>) {add = true}
      %dma_wait3A = arith.constant 0 : i32
      %dma_wait3A_17 = tpu.memref_slice %arg8[%dma_wait3A] : memref<10016xf32, #tpu.memory_space<vmem_shared>> -> memref<10016xf32, #tpu.memory_space<vmem_shared>>
      tpu.wait_indirect_dma semaphore(%run_scoped3A : memref<!tpu.dma_semaphore, #tpu.memory_space<semaphore_mem>>) src(%arg6 : memref<20000xf32, #tpu.memory_space<vmem>>) dst(%dma_wait3A_17 : memref<10016xf32, #tpu.memory_space<vmem_shared>>)
      tpu.yield
    }) : () -> ()
    %barrier3A_10 = arith.constant 0 : index
    tpu.barrier barrier_id(%barrier3A_10)
    %eq3A_11 = arith.constant 0 : i32
    %eq3A_12 = arith.cmpi eq, %arg1, %eq3A_11 : i32
    %convert_element_type3A_13 = arith.extui %eq3A_12 : i1 to i32
    %cond3A_14 = arith.constant 0 : i32
    %cond3A_15 = arith.cmpi ne, %convert_element_type3A_13, %cond3A_14 : i32
    scf.if %cond3A_15 {
      %eq3A_16 = arith.constant 0 : i32
      %eq3A_17 = arith.cmpi eq, %arg0, %eq3A_16 : i32
      %convert_element_type3A_18 = arith.extui %eq3A_17 : i1 to i32
      %cond3A_19 = arith.constant 0 : i32
      %cond3A_20 = arith.cmpi ne, %convert_element_type3A_18, %cond3A_19 : i32
      scf.if %cond3A_20 {
        "tpu.region"() ({
          %run_scoped3A = tpu.sem_alloc : memref<!tpu.dma_semaphore, #tpu.memory_space<semaphore_mem>>
          tpu.enqueue_dma source(%arg8 : memref<10016xf32, #tpu.memory_space<vmem_shared>>) target(%arg3 : memref<10016xf32, #tpu.memory_space<hbm>>) target_semaphore(%run_scoped3A : memref<!tpu.dma_semaphore, #tpu.memory_space<semaphore_mem>>)
          tpu.wait_dma2 semaphore(%run_scoped3A : memref<!tpu.dma_semaphore, #tpu.memory_space<semaphore_mem>>) src(%arg8 : memref<10016xf32, #tpu.memory_space<vmem_shared>>) dst(%arg3 : memref<10016xf32, #tpu.memory_space<hbm>>)
          tpu.yield
        }) : () -> ()
      } else {
      }
      %eq3A_21 = arith.constant 1 : i32
      %eq3A_22 = arith.cmpi eq, %arg0, %eq3A_21 : i32
      %convert_element_type3A_23 = arith.extui %eq3A_22 : i1 to i32
      %cond3A_24 = arith.constant 0 : i32
      %cond3A_25 = arith.cmpi ne, %convert_element_type3A_23, %cond3A_24 : i32
      scf.if %cond3A_25 {
        "tpu.region"() ({
          %run_scoped3A = tpu.sem_alloc : memref<!tpu.dma_semaphore, #tpu.memory_space<semaphore_mem>>
          tpu.enqueue_dma source(%arg8 : memref<10016xf32, #tpu.memory_space<vmem_shared>>) target(%arg4 : memref<10016xf32, #tpu.memory_space<hbm>>) target_semaphore(%run_scoped3A : memref<!tpu.dma_semaphore, #tpu.memory_space<semaphore_mem>>)
          tpu.wait_dma2 semaphore(%run_scoped3A : memref<!tpu.dma_semaphore, #tpu.memory_space<semaphore_mem>>) src(%arg8 : memref<10016xf32, #tpu.memory_space<vmem_shared>>) dst(%arg4 : memref<10016xf32, #tpu.memory_space<hbm>>)
          tpu.yield
        }) : () -> ()
      } else {
      }
    } else {
    }
    return
  }
}

module attributes {stable_mosaic.version = 14 : i64} {
  func.func @_out_body(%arg0: memref<10016x128xf32, #tpu.memory_space<vmem>>, %arg1: memref<10016x128xf32, #tpu.memory_space<vmem>>, %arg2: memref<10016xf32, #tpu.memory_space<vmem>>, %arg3: memref<128x128xf32, #tpu.memory_space<vmem>>, %arg4: memref<1x128xf32, #tpu.memory_space<vmem>>, %arg5: memref<10000x128xf32, #tpu.memory_space<vmem>>) attributes {dimension_semantics = [], scalar_prefetch = 0 : i64, scratch_operands = 0 : i64, tpu.core_type = #tpu.core_type<tc>} {
    %get3A = arith.constant 0 : index
    %get3A_0 = arith.constant 0 : index
    %get3A_1 = vector.load %arg0[%get3A, %get3A_0] : memref<10016x128xf32, #tpu.memory_space<vmem>>, vector<10016x128xf32>
    %get3A_2 = arith.constant 0 : index
    %get3A_3 = arith.constant 0 : index
    %get3A_4 = vector.load %arg1[%get3A_2, %get3A_3] : memref<10016x128xf32, #tpu.memory_space<vmem>>, vector<10016x128xf32>
    %add3A = arith.addf %get3A_1, %get3A_4 : vector<10016x128xf32>
    %get3A_5 = arith.constant 0 : index
    %get3A_6 = arith.constant 0 : index
    %get3A_7 = vector.load %arg3[%get3A_5, %get3A_6] : memref<128x128xf32, #tpu.memory_space<vmem>>, vector<128x128xf32>
    %dot_general3A = arith.constant dense<0.000000e+00> : vector<10016x128xf32>
    %dot_general3A_8 = tpu.matmul %add3A, %get3A_7, %dot_general3A {dimension_numbers = #tpu.dot_dimension_numbers<[1], [0], [0], [1], [0, 0, 1, 1], [], []>, transpose_lhs_hint = false} : vector<10016x128xf32>, vector<128x128xf32>, vector<10016x128xf32> -> vector<10016x128xf32>
    %get3A_9 = arith.constant 0 : index
    %get3A_10 = vector.load %arg2[%get3A_9] : memref<10016xf32, #tpu.memory_space<vmem>>, vector<10016xf32>
    %max3A = arith.constant 1.000000e+00 : f32
    %max3A_11 = vector.broadcast %max3A : f32 to vector<10016xf32>
    %max3A_12 = arith.maximumf %get3A_10, %max3A_11 : vector<10016xf32>
    %rsqrt3A = math.rsqrt %max3A_12 : vector<10016xf32>
    %broadcast_in_dim3A = vector.shape_cast %rsqrt3A : vector<10016xf32> to vector<10016x1xf32>
    %slice3A = vector.extract_strided_slice %dot_general3A_8 {offsets = [0, 0], sizes = [10000, 128], strides = [1, 1]} : vector<10016x128xf32> to vector<10000x128xf32>
    %slice3A_13 = vector.extract_strided_slice %broadcast_in_dim3A {offsets = [0, 0], sizes = [10000, 1], strides = [1, 1]} : vector<10016x1xf32> to vector<10000x1xf32>
    %mul3A = vector.broadcast %slice3A_13 : vector<10000x1xf32> to vector<10000x128xf32>
    %mul3A_14 = arith.mulf %slice3A, %mul3A : vector<10000x128xf32>
    %get3A_15 = arith.constant 0 : index
    %get3A_16 = arith.constant 0 : index
    %get3A_17 = vector.load %arg4[%get3A_15, %get3A_16] : memref<1x128xf32, #tpu.memory_space<vmem>>, vector<1x128xf32>
    %add3A_18 = vector.broadcast %get3A_17 : vector<1x128xf32> to vector<10000x128xf32>
    %add3A_19 = arith.addf %mul3A_14, %add3A_18 : vector<10000x128xf32>
    %swap3A = arith.constant 0 : index
    %swap3A_20 = arith.constant 0 : index
    %swap3A_21 = vector.load %arg5[%swap3A, %swap3A_20] : memref<10000x128xf32, #tpu.memory_space<vmem>>, vector<10000x128xf32>
    tpu.vector_store %arg5[%swap3A, %swap3A_20], %add3A_19 {strides = array<i32>} : memref<10000x128xf32, #tpu.memory_space<vmem>>, vector<10000x128xf32>,
    return
  }
}

module attributes {stable_mosaic.version = 14 : i64} {
  func.func @_scale_body(%arg0: memref<10000x128xf32, #tpu.memory_space<vmem>>, %arg1: memref<10016xf32, #tpu.memory_space<vmem>>, %arg2: memref<10000x128xf32, #tpu.memory_space<vmem>>) attributes {dimension_semantics = [], scalar_prefetch = 0 : i64, scratch_operands = 0 : i64, tpu.core_type = #tpu.core_type<tc>} {
    %get3A = arith.constant 0 : index
    %get3A_0 = vector.load %arg1[%get3A] : memref<10016xf32, #tpu.memory_space<vmem>>, vector<10016xf32>
    %max3A = arith.constant 1.000000e+00 : f32
    %max3A_1 = vector.broadcast %max3A : f32 to vector<10016xf32>
    %max3A_2 = arith.maximumf %get3A_0, %max3A_1 : vector<10016xf32>
    %rsqrt3A = math.rsqrt %max3A_2 : vector<10016xf32>
    %broadcast_in_dim3A = vector.shape_cast %rsqrt3A : vector<10016xf32> to vector<10016x1xf32>
    %get3A_3 = arith.constant 0 : index
    %get3A_4 = arith.constant 0 : index
    %get3A_5 = vector.load %arg0[%get3A_3, %get3A_4] : memref<10000x128xf32, #tpu.memory_space<vmem>>, vector<10000x128xf32>
    %slice3A = vector.extract_strided_slice %broadcast_in_dim3A {offsets = [0, 0], sizes = [10000, 1], strides = [1, 1]} : vector<10016x1xf32> to vector<10000x1xf32>
    %mul3A = vector.broadcast %slice3A : vector<10000x1xf32> to vector<10000x128xf32>
    %mul3A_6 = arith.mulf %get3A_5, %mul3A : vector<10000x128xf32>
    %swap3A = arith.constant 0 : index
    %swap3A_7 = arith.constant 0 : index
    %swap3A_8 = vector.load %arg2[%swap3A, %swap3A_7] : memref<10000x128xf32, #tpu.memory_space<vmem>>, vector<10000x128xf32>
    tpu.vector_store %arg2[%swap3A, %swap3A_7], %mul3A_6 {strides = array<i32>} : memref<10000x128xf32, #tpu.memory_space<vmem>>, vector<10000x128xf32>,
    return
  }
}

</mosaic_0001>

<sc_bundles>
// kernel: kernel.6.cloned.1.call-start
scs
__scs_entry_jumppad:
0x0: {  	(pc) =	sbr.rel $0x88, $3  }
0x1: {  	(tag) =	ssettag $0x0;
	lr =	simm.s32 $0x1  }
0x2: {  	[smem:$0x3F9D] =	sst lr;
	_ =	strace $0xD0000000  }
0x3: {  	_ = 	snop  }
0x4: {  	_ = 	snop  }
0x5: {  	_ = 	snop  }
0x6: {  	_ = 	snop  }
0x7: {  	_ = 	snop  }
__scs_overlays_trampoline_lowered:
0x8: {  	[smem:$0x3FAC] =	sst s0  }
0x9: {  	[smem:$0x3FAD] =	sst s1  }
0xa: {  	[smem:$0x3FAE] =	sst s2  }
0xb: {  	[smem:$0x3FAF] =	sst s3  }
0xc: {  	[smem:$0x3FB0] =	sst s4  }
0xd: {  	[smem:$0x3FB1] =	sst s5  }
0xe: {  	[smem:$0x3FB2] =	sst s6  }
0xf: {  	[smem:$0x3FB3] =	sst s7  }
0x10: {  	[smem:$0x3FB4] =	sst s8  }
0x11: {  	[smem:$0x3FB5] =	sst s9;
	s0 =	simm.s32 @!p0 $0x0  }
0x12: {  	s1 =	sld [smem:$0x3F9B];
	s0 =	simm.s32 @p0 $0x1  }
0x13: {  	[smem:$0x3FB6] =	sst s0;
	s0 =	simm.s32 @!p1 $0x0  }
0x14: {  	s2 =	sld [smem:$0x3F9A];
	s0 =	simm.s32 @p1 $0x1  }
0x15: {  	[smem:$0x3FB7] =	sst s0;
	s0 =	simm.s32 @!p2 $0x0  }
0x16: {  	s3 =	sld [smem:$0x3FDB];
	s0 =	simm.s32 @p2 $0x1  }
0x17: {  	s4 =	simm.s32 $0x1BF5;
	[smem:$0x3FB9] =	sst s0  }
0x18: {  	s0 =	sld [smem:$0x3F9C];
	_ =	swait.ge [sflag:s4], $0x0  }
0x19: {  	s7 =	sld [smem:$0x3F9D]  }
0x1a: {  	s8 =	sadd.s32 $0xFFFFE003, lr  }
0x1b: {  	s9 =	sadd.s32 $0xFFFFFEF7, lr;
	s5 =	simm.s32 $0xFFFFFFFF;
	p2 =	slt.u32 s8, $0xFFFFF086  }
0x1c: {  	p1 =	slt.u32 s9, $0xF7A;
	s5 =	simm.s32 @!p2 $0x0  }
0x1d: {  	s5 =	simm.s32 @p1 $0x1;
	p0 =	seq.s32 s7, s2  }
0x1e: {  	s7 =	smul.u32 @!p0 $0xF7A, s2;
	p2 =	seq.s32 @!p0 s5, $0x0  }
0x1f: {  	s9 =	smul.u32 $0xF7A, s1;
	s8 =	simm.s32 @!p0 $0x1BF5;
	p2 =	por !p2, p0  }
0x20: {  	[sflag:s8] =	ssyncset.s32 @!p0 $0xFFFFF086;
	s6 =	sadd.s32 @!p0 s3, s7;
	s7 =	simm.s32 @!p0 $0x108  }
0x21: {  	s3 =	sadd.s32 s3, s9;
	s6 =	sadd.s32 @!p0 $0x88, s6;
	s7 =	simm.s32 @p2 $0x1082  }
0x22: {  	[simem:s7], [sflag:s8] =	dma.local @!p0 [hbm:s6], $0xF7A  }
0x23: {  	s9 =	sor.u32 $0xD0000000, s2;
	s6 =	simm.s32 $0x108;
	_ =	swait.ge @!p0 [sflag:s8], $0x0  }
0x24: {  	s3 =	sadd.s32 $0x88, s3;
	s6 =	simm.s32 @!p1 $0x1082;
	[sflag:s4] =	ssyncset.s32 $0xFFFFF086  }
0x25: {  	[simem:s6], [sflag:s4] =	dma.local [hbm:s3], $0xF7A  }
0x26: {  	[smem:$0x3F9D] =	sst s1;
	(tag) =	ssettag s2;
	_ =	strace s9  }
0x27: {  	s1 =	sld [smem:$0x3FAD]  }
0x28: {  	s2 =	sld [smem:$0x3FAE]  }
0x29: {  	s4 =	sld [smem:$0x3FB0]  }
0x2a: {  	p0 =	seq.s32 s5, $0x0;
	s5 =	sld [smem:$0x3FB1]  }
0x2b: {  	s6 =	sld [smem:$0x3FB2]  }
0x2c: {  	s7 =	sld [smem:$0x3FB3]  }
0x2d: {  	s3 =	simm.s32 $0x108;
	s8 =	sld [smem:$0x3FB4]  }
0x2e: {  	s3 =	simm.s32 @!p0 $0x1082;
	s9 =	sld [smem:$0x3FB5]  }
0x2f: {  	lr =	sadd.s32 s0, s3;
	s0 =	sld [smem:$0x3FAC]  }
0x30: {  	s3 =	sld [smem:$0x3FAF]  }
0x31: {  	[smem:$0x3FB8] =	sst s10  }
0x32: {  	s10 =	sld [smem:$0x3FB6];
	_ =	sdelay $0x3  }
0x33: {  	p0 =	seq.s32 s10, $0x1;
	s10 =	sld [smem:$0x3FB8];
	_ =	sdelay $0x3  }
0x34: {  	[smem:$0x3FB8] =	sst s10  }
0x35: {  	s10 =	sld [smem:$0x3FB7];
	_ =	sdelay $0x3  }
0x36: {  	p1 =	seq.s32 s10, $0x1;
	s10 =	sld [smem:$0x3FB8];
	_ =	sdelay $0x3  }
0x37: {  	[smem:$0x3FB8] =	sst s10  }
0x38: {  	s10 =	sld [smem:$0x3FB9]  }
0x39: {  	_ = 	snop;
	(pc) =	sbr.ind lr, $3  }
0x3a: {  	_ = 	snop  }
0x3b: {  	_ = 	snop  }
0x3c: {  	p2 =	seq.s32 s10, $0x1;
	s10 =	sld [smem:$0x3FB8]  }
0x3d: {  	_ =	shalt  }
0x3e: {  	_ =	shalt  }
0x3f: {  	_ =	shalt  }
0x40: {  	_ =	shalt  }
0x41: {  	_ =	shalt  }
0x42: {  	_ =	shalt  }
0x43: {  	_ =	shalt  }
0x44: {  	_ =	shalt  }
0x45: {  	_ =	shalt  }
0x46: {  	_ =	shalt  }
0x47: {  	_ =	shalt  }
0x48: {  	_ =	shalt  }
0x49: {  	_ =	shalt  }
0x4a: {  	_ =	shalt  }
0x4b: {  	_ =	shalt  }
0x4c: {  	_ =	shalt  }
0x4d: {  	_ =	shalt  }
0x4e: {  	_ =	shalt  }
0x4f: {  	_ =	shalt  }
0x50: {  	_ =	shalt  }
0x51: {  	_ =	shalt  }
0x52: {  	_ =	shalt  }
0x53: {  	_ =	shalt  }
0x54: {  	_ =	shalt  }
0x55: {  	_ =	shalt  }
0x56: {  	_ =	shalt  }
0x57: {  	_ =	shalt  }
0x58: {  	_ =	shalt  }
0x59: {  	_ =	shalt  }
0x5a: {  	_ =	shalt  }
0x5b: {  	_ =	shalt  }
0x5c: {  	_ =	shalt  }
0x5d: {  	_ =	shalt  }
0x5e: {  	_ =	shalt  }
0x5f: {  	_ =	shalt  }
0x60: {  	_ =	shalt  }
0x61: {  	_ =	shalt  }
0x62: {  	_ =	shalt  }
0x63: {  	_ =	shalt  }
0x64: {  	_ =	shalt  }
0x65: {  	_ =	shalt  }
0x66: {  	_ =	shalt  }
0x67: {  	_ =	shalt  }
0x68: {  	_ =	shalt  }
0x69: {  	_ =	shalt  }
0x6a: {  	_ =	shalt  }
0x6b: {  	_ =	shalt  }
0x6c: {  	_ =	shalt  }
0x6d: {  	_ =	shalt  }
0x6e: {  	_ =	shalt  }
0x6f: {  	_ =	shalt  }
0x70: {  	_ =	shalt  }
0x71: {  	_ =	shalt  }
0x72: {  	_ =	shalt  }
0x73: {  	_ =	shalt  }
0x74: {  	_ =	shalt  }
0x75: {  	_ =	shalt  }
0x76: {  	_ =	shalt  }
0x77: {  	_ =	shalt  }
0x78: {  	_ =	shalt  }
0x79: {  	_ =	shalt  }
0x7a: {  	_ =	shalt  }
0x7b: {  	_ =	shalt  }
0x7c: {  	_ =	shalt  }
0x7d: {  	_ =	shalt  }
0x7e: {  	_ =	shalt  }
0x7f: {  	_ =	shalt  }
0x80: {  	_ =	shalt  }
0x81: {  	_ =	shalt  }
0x82: {  	_ =	shalt  }
0x83: {  	_ =	shalt  }
0x84: {  	_ =	shalt  }
0x85: {  	_ =	shalt  }
0x86: {  	_ =	shalt  }
0x87: {  	_ =	shalt  }
.Lfunc_end0:
.L_simem_size_0:
called_computation_lowered:
.L_overlay_start_0:
0x88: {  	s2 =	sld [smem:$0x3FD9]  }
0x89: {  	s3 =	sld [smem:$0x3FFE];
	_ =	sdelay $0x1  }
0x8a: {  	s1 =	srdreg.scid  }
0x8b: {  	s0 =	sand.u32 $0x1, s1  }
0x8c: {  	s17 =	sshll.u32 s0, $0xA;
	s2 =	sadd.s32 s3, s2  }
0x8d: {  	s2 =	sadd.s32 s2, s17  }
0x8e: {  	[smem:$0x3FC4] =	sst s2  }
0x8f: {  	_ = 	snop  }
0x90: {  	s2 =	sld [smem:$0x3FD0];
	(tm) =	ssettm $0x1  }
0x91: {  	s18 =	sld [smem:$0x3FFB];
	_ =	sdelay $0x3  }
0x92: {  	_ =	strace s18  }
0x93: {  	s3 =	sld [smem:$0x3FFC];
	_ =	sdelay $0x3  }
0x94: {  	_ =	strace s3  }
0x95: {  	s3 =	sld [smem:$0x3FFD];
	_ =	sdelay $0x3  }
0x96: {  	_ =	strace s3  }
0x97: {  	_ =	strace $0x8FFFFFFF  }
0x98: {  	s19 =	sld [smem:$0x3FDB];
	_ =	sdelay $0x1  }
0x99: {  	s4 =	simm.s32 $_scs_section_size  }
0x9a: {  	s5 =	simm.s32 $_size__tile_overlayer_lowered;
	s6 =	simm.s32 $_tile_overlayer_lowered  }
0x9b: {  	s22 =	simm.s32 $0x1BFF;
	s21 =	sshll.u32 s6, $0x1;
	s3 =	sadd.s32 s4, s19  }
0x9c: {  	s7 =	simm.s32 $0x0;
	s20 =	sshll.u32 s5, $0x1;
	s5 =	sadd.s32 s21, s3  }
0x9d: {  	[timem:s7], [sflag:s22] =	dma.local [hbm:s5], s20  }
0x9e: {  	_ =	swait.ge [sflag:s22], s20  }
0x9f: {  	s4 =	ssub.s32 $0x0, s20;
	[sflag:s22] =	ssyncset.done $0x0  }
0xa0: {  	[sflag:s22] =	ssyncadd.s32 s4;
	_ =	sdelay $0x1  }
0xa1: {  	s23 =	simm.s32 $0x1B8B  }
0xa2: {  	_ =	swait.ge [sflag:s23], $0x1  }
0xa3: {  	[sflag:s23] =	ssyncset.done $0x0  }
0xa4: {  	s25 =	simm.s32 $0x1B8E;
	s24 =	sld [smem:$0x3FFE];
	[sflag:s23] =	ssyncadd.s32 $0xFFFFFFFF  }
0xa5: {  	s26 =	simm.s32 $execute0_lowered;
	[smem:$0x3FD2] =	sst s25  }
0xa6: {  	s5 =	sshll.u32 s26, $0x1;
	_ =	strace $0x80000046;
	[dreg:$0x1] =	wrdreg $0xFFFFFFFF  }
0xa7: {  	s28 =	simm.s32 $_size_execute0_lowered;
	s3 =	sadd.s32 s3, s5;
	[dreg:$0x0] =	wrdreg $0x0  }
0xa8: {  	s5 =	sshll.u32 s28, $0x1;
	[dreg:$0x2] =	wrdreg s3  }
0xa9: {  	[dreg:$0x3] =	wrdreg s5  }
0xaa: {  	[dreg:$0x4] =	wrdreg $0xC0  }
0xab: {  	_ =	task [dreg:s7], $0x5FFFF  }
0xac: {  	[dreg:$0x1] =	wrdreg $0xFFFFFFFF  }
0xad: {  	[dreg:$0x0] =	wrdreg $0x60  }
0xae: {  	[dreg:$0x2] =	wrdreg s24  }
0xaf: {  	[dreg:$0x3] =	wrdreg s2  }
0xb0: {  	[dreg:$0x4] =	wrdreg $0xC4800  }
0xb1: {  	[dreg:$0x5] =	wrdreg $0x9  }
0xb2: {  	_ =	task.clear_ibuf [dreg:s7], $0x6FFFF;
	_ =	strace $0x90000046  }
0xb3: {  	s29 =	simm.s32 $0x9;
	_ =	strace $0x80000048  }
0xb4: {  	_ =	swait.ge [sflag:s29], $0x1  }
0xb5: {  	[sflag:s29] =	ssyncadd.s32 $0xFFFFFFFF  }
0xb6: {  	_ =	strace $0x90000048  }
0xb7: {  	_ =	sfence  }
0xb8: {  	s30 =	sld [smem:$0x0];
	_ =	sdelay $0x2  }
0xb9: {  	s31 =	sshll.u32 s1, $0xD;
	s1 =	sshrl.u32 s1, $0x2  }
0xba: {  	s3 =	sand.u32 $0x4000, s31;
	s1 =	sadd.s32 s1, s30  }
0xbb: {  	s0 =	sor.u32 s3, s0;
	s1 =	sshll.u32 s1, $0x11  }
0xbc: {  	s0 =	sor.u32 s1, s0  }
0xbd: {  	s0 =	sadd.s32 $0x8F2B, s0  }
0xbe: {  	[sflag:s0] =	ssyncadd.remote.s32 $0x1  }
0xbf: {  	_ =	sfence.sel $0xFFFF  }
0xc0: {  	[dreg:$0x0] =	wrdreg $0xFFFFFFFF;
	(pc) =	sbr.abs _section_cstart, $3  }
0xc1: {  	[dreg:$0x1] =	wrdreg $0xFFFFFFFF  }
0xc2: {  	_ =	task.clear_ibuf [dreg:s7], $0x2FFFF;
	_ =	strace $0x9FFFFFFF  }
0xc3: {  	(tm) =	ssettm $0x7FFFFFFF  }
tec
execute0_lowered:
.L_overlay_start_1:
0x0: {  	(tag) =	ssettag $0x1  }
0x1: {  	s4 =	rddreg [dreg:$0x0]  }
0x2: {  	s1 =	srdreg.scid;
	s0 =	rddreg [dreg:$0x1]  }
0x3: {  	s8 =	stileid.u32;
	s2 =	rddreg [dreg:$0x2]  }
0x4: {  	s3 =	simm.s32 $0x0;
	s10 =	simm.s32 $0x4E80;
	s11 =	simm.s32 $0x1C01  }
0x5: {  	s14 =	simm.s32 $0x0;
	s6 =	sand.u32 $0x1, s1;
	s1 =	rddreg [dreg:$0x3]  }
0x6: {  	s7 =	smul.u32 $0x4E20, s8;
	[smem:$0x7FF] =	sst s3;
	p0 =	sne.s32 s8, $0x0  }
0x7: {  	s8 =	simm.s32 $0x9D00;
	s5 =	smul.u32 $0x4E200, s6;
	s31 =	ssub.s32 $0x2, s6  }
.Ltmp0:
0x8: {  	_ =	strace $0x80000047;
	p1 =	seq.s32 s6, $0x1;
	(pc) =	sbr.rel .LBB2_1-.Ltmp0, $4  }
0x9: {  	s9 =	sshrl.u32 s31, $0x1;
	s12 =	sshrl.u32 @p1 s2, $0x3;
	s5 =	sadd.s32 s7, s5  }
0xa: {  	s13 =	sshrl.u32 @!p1 s2, $0x3;
	s7 =	ssub.s32 s31, s9;
	s5 =	sshrl.u32 s5, $0x3  }
0xb: {  	s9 =	simm.s32 $0x4E20;
	s6 =	smax.u32 s7, $0x1;
	s5 =	sadd.s32 s5, s4  }
0xc: {  	v0 =	vimm.f32 $1.000000000e+00;
	v1 =	vimm.f32 $0.0e+00;
	s7 =	simm.s32 $0x1;
	s4 =	sadd.s32 $0x16000, s4;
	s5 =	sadd.s32 $0x2600, s5  }
.LBB2_7:
0xd: {  	[bflag:$0x0] =	sbarrier.arrive $0xFFFF  }
0xe: {  	[spmem:s2] =	stream.indirect.scatter.add.f32 [tilespmem:s10], [sflag:$0x1], $0x1, s3, s9, $0xb8;
	[tilespmem:$0xC6F8] =	vst v63  }
0xf: {  	_ =	swait.ge [sflag:s7], $0x4E20  }
0x10: {  	[sflag:s7] =	ssyncset.done $0x0  }
0x11: {  	[sflag:s7] =	ssyncadd.s32 $0xFFFFB1E0  }
0x12: {  	[bflag:$0x0] =	sbarrier.arrive $0xFFFF  }
.LBB2_8:
0x13: {  	s14 =	sadd.s32 $0x1, s14  }
0x14: {  	p2 =	sne.s32 s14, s6  }
.Ltmp1:
0x15: {  	_ = 	snop;
	(pc) =	sbr.rel @!p2 .LBB2_9-.Ltmp1, $1  }
0x16: {  	_ =	sdelay $0x3  }
.LBB2_1:
0x17: {  	[tilespmem:s3], [sflag:$0x1] =	stream.linear.gather [hbm4b:s5+s3], $0x4E20, $0x38;
	[tilespmem:$0xC6F8] =	vst v63  }
0x18: {  	_ =	swait.ge [sflag:s7], $0x4E20  }
0x19: {  	[sflag:s7] =	ssyncset.done $0x0  }
0x1a: {  	s15 =	simm.s32 $0x40;
	s16 =	simm.s32 $0x0;
	[sflag:s7] =	ssyncadd.s32 $0xFFFFB1E0  }
.LBB2_2:
0x1b: {  	p2 =	sne.s32 s15, $0x13840;
	[tilespmem:s16+$0x4E80] =	vst v0;
	s16 =	smov.u32 s15;
	s15 =	sadd.s32 $0x40, s15  }
.Ltmp2:
0x1c: {  	(pc) =	sbr.rel @p2 .LBB2_2-.Ltmp2, $2  }
0x1d: {  	_ =	sdelay $0x2  }
0x1e: {  	s16 =	sshra.s32 s16, $0x2  }
.Ltmp3:
0x1f: {  	(pc) =	sbr.rel @p0 .LBB2_7-.Ltmp3, $2  }
0x20: {  	_ =	sdelay $0x2  }
0x21: {  	[tilespmem:s16+$0x4E80] =	vst v0  }
0x22: {  	s15 =	simm.s32 $0x40;
	s16 =	simm.s32 $0x0  }
.LBB2_5:
0x23: {  	p2 =	sne.s32 s15, $0x9C40;
	[tilespmem:s16+$0x9D00] =	vst v1;
	s16 =	smov.u32 s15;
	s15 =	sadd.s32 $0x40, s15  }
.Ltmp4:
0x24: {  	(pc) =	sbr.rel @p2 .LBB2_5-.Ltmp4, $2  }
0x25: {  	_ =	sdelay $0x2  }
0x26: {  	s16 =	sshra.s32 s16, $0x2  }
0x27: {  	[tilespmem:s16+$0x9D00] =	vst v1  }
0x28: {  	[spmem:s2] =	stream.linear.scatter [tilespmem:s8], [sflag:$0x1], $0x2780, $0x38;
	[tilespmem:$0xC6F8] =	vst v63  }
0x29: {  	_ =	swait.ge [sflag:s7], $0x2780  }
0x2a: {  	[sflag:s7] =	ssyncset.done $0x0  }
0x2b: {  	[sflag:s7] =	ssyncadd.s32 $0xFFFFD880  }
0x2c: {  	[bflag:$0x0] =	sbarrier.arrive $0xFFFF  }
0x2d: {  	[spmem:s2] =	stream.indirect.scatter.add.f32 [tilespmem:s10], [sflag:$0x1], $0x1, s3, s9, $0xb8;
	[tilespmem:$0xC6F8] =	vst v63  }
0x2e: {  	_ =	swait.ge [sflag:s7], $0x4E20  }
0x2f: {  	[sflag:s7] =	ssyncset.done $0x0  }
0x30: {  	[sflag:s7] =	ssyncadd.s32 $0xFFFFB1E0  }
0x31: {  	s15 =	simm.s32 @p1 $0x1;
	[bflag:$0x0] =	sbarrier.arrive $0xFFFF  }
0x32: {  	[hbm:s4], [sflag:s11] =	dma.local @p1 [spmem:s12], $0x4F0  }
0x33: {  	_ =	swait.ge @p1 [sflag:s15], $0x4F0  }
0x34: {  	[sflag:s15] =	ssyncset.done @p1 $0x0  }
.Ltmp5:
0x35: {  	[sflag:s15] =	ssyncadd.s32 @p1 $0xFFFFFB10;
	s15 =	simm.s32 @!p1 $0x1;
	(pc) =	sbr.rel .LBB2_8-.Ltmp5, $4  }
0x36: {  	[hbm:s0], [sflag:s11] =	dma.local @!p1 [spmem:s13], $0x4F0  }
0x37: {  	_ =	swait.ge @!p1 [sflag:s15], $0x4F0  }
0x38: {  	[sflag:s15] =	ssyncset.done @!p1 $0x0  }
0x39: {  	[sflag:s15] =	ssyncadd.s32 @!p1 $0xFFFFFB10  }
.LBB2_9:
0x3a: {  	_ =	sfence.sel $0x180000  }
0x3b: {  	[bflag:$0x0] =	sbarrier.arrive $0xFFFF  }
0x3c: {  	_ =	strace $0x90000047  }
0x3d: {  	s0 =	sadd.s32 @!p0 $0x100000, s1;
	[bflag:$0x2] =	sbarrier.arrive $0xFFFF  }
0x3e: {  	[sflag:s0] =	ssyncadd.tile.s32 @!p0 $0x1;
	_ =	shalt  }
.Lfunc_end2:
_tile_overlayer_lowered:
.L_overlay_start_2:
0x3f: {  	(tag) =	ssettag $0x2  }
0x40: {  	s0 =	rddreg [dreg:$0x0];
	s2 =	stileid.u32  }
0x41: {  	s1 =	rddreg [dreg:$0x1];
	p0 =	sne.s32 s2, $0x0  }
0x42: {  	s3 =	rddreg [dreg:$0x2];
	[bflag:$0x3] =	sbarrier.arrive $0xFFFF;
	s2 =	simm.s32 @!p0 $0x1C01  }
0x43: {  	[timem:s3], [sflag:s2] =	dma.local @!p0 [hbm:s0], s1  }
0x44: {  	s0 =	simm.s32 @!p0 $0x1  }
0x45: {  	_ =	swait.ge @!p0 [sflag:s0], s1  }
0x46: {  	s1 =	ssub.s32 @!p0 $0x0, s1;
	[sflag:s0] =	ssyncset.done @!p0 $0x0  }
0x47: {  	[sflag:s0] =	ssyncadd.s32 @!p0 s1  }
0x48: {  	[bflag:$0x3] =	sbarrier.arrive $0xFFFF  }
0x49: {  	_ =	shalt  }

// kernel: kernel.9.cloned.1.call-start
scs
__scs_entry_jumppad:
0x0: {  	(pc) =	sbr.rel $0x88, $3  }
0x1: {  	(tag) =	ssettag $0x0;
	lr =	simm.s32 $0x1  }
0x2: {  	[smem:$0x3F9D] =	sst lr;
	_ =	strace $0xD0000000  }
0x3: {  	_ = 	snop  }
0x4: {  	_ = 	snop  }
0x5: {  	_ = 	snop  }
0x6: {  	_ = 	snop  }
0x7: {  	_ = 	snop  }
__scs_overlays_trampoline_lowered:
0x8: {  	[smem:$0x3FAC] =	sst s0  }
0x9: {  	[smem:$0x3FAD] =	sst s1  }
0xa: {  	[smem:$0x3FAE] =	sst s2  }
0xb: {  	[smem:$0x3FAF] =	sst s3  }
0xc: {  	[smem:$0x3FB0] =	sst s4  }
0xd: {  	[smem:$0x3FB1] =	sst s5  }
0xe: {  	[smem:$0x3FB2] =	sst s6  }
0xf: {  	[smem:$0x3FB3] =	sst s7  }
0x10: {  	[smem:$0x3FB4] =	sst s8  }
0x11: {  	[smem:$0x3FB5] =	sst s9;
	s0 =	simm.s32 @!p0 $0x0  }
0x12: {  	s1 =	sld [smem:$0x3F9B];
	s0 =	simm.s32 @p0 $0x1  }
0x13: {  	[smem:$0x3FB6] =	sst s0;
	s0 =	simm.s32 @!p1 $0x0  }
0x14: {  	s2 =	sld [smem:$0x3F9A];
	s0 =	simm.s32 @p1 $0x1  }
0x15: {  	[smem:$0x3FB7] =	sst s0;
	s0 =	simm.s32 @!p2 $0x0  }
0x16: {  	s3 =	sld [smem:$0x3FDB];
	s0 =	simm.s32 @p2 $0x1  }
0x17: {  	s4 =	simm.s32 $0x1BF5;
	[smem:$0x3FB9] =	sst s0  }
0x18: {  	s0 =	sld [smem:$0x3F9C];
	_ =	swait.ge [sflag:s4], $0x0  }
0x19: {  	s7 =	sld [smem:$0x3F9D]  }
0x1a: {  	s8 =	sadd.s32 $0xFFFFE003, lr  }
0x1b: {  	s9 =	sadd.s32 $0xFFFFFEF7, lr;
	s5 =	simm.s32 $0xFFFFFFFF;
	p2 =	slt.u32 s8, $0xFFFFF086  }
0x1c: {  	p1 =	slt.u32 s9, $0xF7A;
	s5 =	simm.s32 @!p2 $0x0  }
0x1d: {  	s5 =	simm.s32 @p1 $0x1;
	p0 =	seq.s32 s7, s2  }
0x1e: {  	s7 =	smul.u32 @!p0 $0xF7A, s2;
	p2 =	seq.s32 @!p0 s5, $0x0  }
0x1f: {  	s9 =	smul.u32 $0xF7A, s1;
	s8 =	simm.s32 @!p0 $0x1BF5;
	p2 =	por !p2, p0  }
0x20: {  	[sflag:s8] =	ssyncset.s32 @!p0 $0xFFFFF086;
	s6 =	sadd.s32 @!p0 s3, s7;
	s7 =	simm.s32 @!p0 $0x108  }
0x21: {  	s3 =	sadd.s32 s3, s9;
	s6 =	sadd.s32 @!p0 $0x88, s6;
	s7 =	simm.s32 @p2 $0x1082  }
0x22: {  	[simem:s7], [sflag:s8] =	dma.local @!p0 [hbm:s6], $0xF7A  }
0x23: {  	s9 =	sor.u32 $0xD0000000, s2;
	s6 =	simm.s32 $0x108;
	_ =	swait.ge @!p0 [sflag:s8], $0x0  }
0x24: {  	s3 =	sadd.s32 $0x88, s3;
	s6 =	simm.s32 @!p1 $0x1082;
	[sflag:s4] =	ssyncset.s32 $0xFFFFF086  }
0x25: {  	[simem:s6], [sflag:s4] =	dma.local [hbm:s3], $0xF7A  }
0x26: {  	[smem:$0x3F9D] =	sst s1;
	(tag) =	ssettag s2;
	_ =	strace s9  }
0x27: {  	s1 =	sld [smem:$0x3FAD]  }
0x28: {  	s2 =	sld [smem:$0x3FAE]  }
0x29: {  	s4 =	sld [smem:$0x3FB0]  }
0x2a: {  	p0 =	seq.s32 s5, $0x0;
	s5 =	sld [smem:$0x3FB1]  }
0x2b: {  	s6 =	sld [smem:$0x3FB2]  }
0x2c: {  	s7 =	sld [smem:$0x3FB3]  }
0x2d: {  	s3 =	simm.s32 $0x108;
	s8 =	sld [smem:$0x3FB4]  }
0x2e: {  	s3 =	simm.s32 @!p0 $0x1082;
	s9 =	sld [smem:$0x3FB5]  }
0x2f: {  	lr =	sadd.s32 s0, s3;
	s0 =	sld [smem:$0x3FAC]  }
0x30: {  	s3 =	sld [smem:$0x3FAF]  }
0x31: {  	[smem:$0x3FB8] =	sst s10  }
0x32: {  	s10 =	sld [smem:$0x3FB6];
	_ =	sdelay $0x3  }
0x33: {  	p0 =	seq.s32 s10, $0x1;
	s10 =	sld [smem:$0x3FB8];
	_ =	sdelay $0x3  }
0x34: {  	[smem:$0x3FB8] =	sst s10  }
0x35: {  	s10 =	sld [smem:$0x3FB7];
	_ =	sdelay $0x3  }
0x36: {  	p1 =	seq.s32 s10, $0x1;
	s10 =	sld [smem:$0x3FB8];
	_ =	sdelay $0x3  }
0x37: {  	[smem:$0x3FB8] =	sst s10  }
0x38: {  	s10 =	sld [smem:$0x3FB9]  }
0x39: {  	_ = 	snop;
	(pc) =	sbr.ind lr, $3  }
0x3a: {  	_ = 	snop  }
0x3b: {  	_ = 	snop  }
0x3c: {  	p2 =	seq.s32 s10, $0x1;
	s10 =	sld [smem:$0x3FB8]  }
0x3d: {  	_ =	shalt  }
0x3e: {  	_ =	shalt  }
0x3f: {  	_ =	shalt  }
0x40: {  	_ =	shalt  }
0x41: {  	_ =	shalt  }
0x42: {  	_ =	shalt  }
0x43: {  	_ =	shalt  }
0x44: {  	_ =	shalt  }
0x45: {  	_ =	shalt  }
0x46: {  	_ =	shalt  }
0x47: {  	_ =	shalt  }
0x48: {  	_ =	shalt  }
0x49: {  	_ =	shalt  }
0x4a: {  	_ =	shalt  }
0x4b: {  	_ =	shalt  }
0x4c: {  	_ =	shalt  }
0x4d: {  	_ =	shalt  }
0x4e: {  	_ =	shalt  }
0x4f: {  	_ =	shalt  }
0x50: {  	_ =	shalt  }
0x51: {  	_ =	shalt  }
0x52: {  	_ =	shalt  }
0x53: {  	_ =	shalt  }
0x54: {  	_ =	shalt  }
0x55: {  	_ =	shalt  }
0x56: {  	_ =	shalt  }
0x57: {  	_ =	shalt  }
0x58: {  	_ =	shalt  }
0x59: {  	_ =	shalt  }
0x5a: {  	_ =	shalt  }
0x5b: {  	_ =	shalt  }
0x5c: {  	_ =	shalt  }
0x5d: {  	_ =	shalt  }
0x5e: {  	_ =	shalt  }
0x5f: {  	_ =	shalt  }
0x60: {  	_ =	shalt  }
0x61: {  	_ =	shalt  }
0x62: {  	_ =	shalt  }
0x63: {  	_ =	shalt  }
0x64: {  	_ =	shalt  }
0x65: {  	_ =	shalt  }
0x66: {  	_ =	shalt  }
0x67: {  	_ =	shalt  }
0x68: {  	_ =	shalt  }
0x69: {  	_ =	shalt  }
0x6a: {  	_ =	shalt  }
0x6b: {  	_ =	shalt  }
0x6c: {  	_ =	shalt  }
0x6d: {  	_ =	shalt  }
0x6e: {  	_ =	shalt  }
0x6f: {  	_ =	shalt  }
0x70: {  	_ =	shalt  }
0x71: {  	_ =	shalt  }
0x72: {  	_ =	shalt  }
0x73: {  	_ =	shalt  }
0x74: {  	_ =	shalt  }
0x75: {  	_ =	shalt  }
0x76: {  	_ =	shalt  }
0x77: {  	_ =	shalt  }
0x78: {  	_ =	shalt  }
0x79: {  	_ =	shalt  }
0x7a: {  	_ =	shalt  }
0x7b: {  	_ =	shalt  }
0x7c: {  	_ =	shalt  }
0x7d: {  	_ =	shalt  }
0x7e: {  	_ =	shalt  }
0x7f: {  	_ =	shalt  }
0x80: {  	_ =	shalt  }
0x81: {  	_ =	shalt  }
0x82: {  	_ =	shalt  }
0x83: {  	_ =	shalt  }
0x84: {  	_ =	shalt  }
0x85: {  	_ =	shalt  }
0x86: {  	_ =	shalt  }
0x87: {  	_ =	shalt  }
.Lfunc_end0:
.L_simem_size_0:
called_computation.1_lowered:
.L_overlay_start_0:
0x88: {  	s2 =	sld [smem:$0x3FD9]  }
0x89: {  	s3 =	sld [smem:$0x3FFE];
	_ =	sdelay $0x1  }
0x8a: {  	s1 =	srdreg.scid  }
0x8b: {  	s0 =	sand.u32 $0x1, s1  }
0x8c: {  	s17 =	sshll.u32 s0, $0xA;
	s2 =	sadd.s32 s3, s2  }
0x8d: {  	s2 =	sadd.s32 s2, s17  }
0x8e: {  	[smem:$0x3FC4] =	sst s2  }
0x8f: {  	_ = 	snop  }
0x90: {  	s2 =	sld [smem:$0x3FD0];
	(tm) =	ssettm $0x1  }
0x91: {  	s18 =	sld [smem:$0x3FFB];
	_ =	sdelay $0x3  }
0x92: {  	_ =	strace s18  }
0x93: {  	s3 =	sld [smem:$0x3FFC];
	_ =	sdelay $0x3  }
0x94: {  	_ =	strace s3  }
0x95: {  	s3 =	sld [smem:$0x3FFD];
	_ =	sdelay $0x3  }
0x96: {  	_ =	strace s3  }
0x97: {  	_ =	strace $0x8FFFFFFF  }
0x98: {  	s19 =	sld [smem:$0x3FDB];
	_ =	sdelay $0x1  }
0x99: {  	s4 =	simm.s32 $_scs_section_size  }
0x9a: {  	s5 =	simm.s32 $_size__tile_overlayer_lowered;
	s6 =	simm.s32 $_tile_overlayer_lowered  }
0x9b: {  	s22 =	simm.s32 $0x1BFF;
	s21 =	sshll.u32 s6, $0x1;
	s3 =	sadd.s32 s4, s19  }
0x9c: {  	s7 =	simm.s32 $0x0;
	s20 =	sshll.u32 s5, $0x1;
	s5 =	sadd.s32 s21, s3  }
0x9d: {  	[timem:s7], [sflag:s22] =	dma.local [hbm:s5], s20  }
0x9e: {  	_ =	swait.ge [sflag:s22], s20  }
0x9f: {  	s4 =	ssub.s32 $0x0, s20;
	[sflag:s22] =	ssyncset.done $0x0  }
0xa0: {  	[sflag:s22] =	ssyncadd.s32 s4;
	_ =	sdelay $0x1  }
0xa1: {  	s23 =	simm.s32 $0x1B8B  }
0xa2: {  	_ =	swait.ge [sflag:s23], $0x1  }
0xa3: {  	[sflag:s23] =	ssyncset.done $0x0  }
0xa4: {  	s25 =	simm.s32 $0x1B8E;
	s24 =	sld [smem:$0x3FFE];
	[sflag:s23] =	ssyncadd.s32 $0xFFFFFFFF  }
0xa5: {  	s26 =	simm.s32 $execute0_lowered;
	[smem:$0x3FD2] =	sst s25  }
0xa6: {  	s5 =	sshll.u32 s26, $0x1;
	_ =	strace $0x80000049;
	[dreg:$0x1] =	wrdreg $0xFFFFFFFF  }
0xa7: {  	s28 =	simm.s32 $_size_execute0_lowered;
	s3 =	sadd.s32 s3, s5;
	[dreg:$0x0] =	wrdreg $0x0  }
0xa8: {  	s5 =	sshll.u32 s28, $0x1;
	[dreg:$0x2] =	wrdreg s3  }
0xa9: {  	[dreg:$0x3] =	wrdreg s5  }
0xaa: {  	[dreg:$0x4] =	wrdreg $0xC0  }
0xab: {  	_ =	task [dreg:s7], $0x5FFFF  }
0xac: {  	[dreg:$0x1] =	wrdreg $0xFFFFFFFF  }
0xad: {  	[dreg:$0x0] =	wrdreg $0x60  }
0xae: {  	[dreg:$0x2] =	wrdreg s24  }
0xaf: {  	[dreg:$0x3] =	wrdreg s2  }
0xb0: {  	[dreg:$0x4] =	wrdreg $0xC5000  }
0xb1: {  	[dreg:$0x5] =	wrdreg $0x9  }
0xb2: {  	_ =	task.clear_ibuf [dreg:s7], $0x6FFFF;
	_ =	strace $0x90000049  }
0xb3: {  	s29 =	simm.s32 $0x9;
	_ =	strace $0x8000004B  }
0xb4: {  	_ =	swait.ge [sflag:s29], $0x1  }
0xb5: {  	[sflag:s29] =	ssyncadd.s32 $0xFFFFFFFF  }
0xb6: {  	_ =	strace $0x9000004B  }
0xb7: {  	_ =	sfence  }
0xb8: {  	s30 =	sld [smem:$0x0];
	_ =	sdelay $0x2  }
0xb9: {  	s31 =	sshll.u32 s1, $0xD;
	s1 =	sshrl.u32 s1, $0x2  }
0xba: {  	s3 =	sand.u32 $0x4000, s31;
	s1 =	sadd.s32 s1, s30  }
0xbb: {  	s0 =	sor.u32 s3, s0;
	s1 =	sshll.u32 s1, $0x11  }
0xbc: {  	s0 =	sor.u32 s1, s0  }
0xbd: {  	s0 =	sadd.s32 $0x8F2B, s0  }
0xbe: {  	[sflag:s0] =	ssyncadd.remote.s32 $0x1  }
0xbf: {  	_ =	sfence.sel $0xFFFF  }
0xc0: {  	[dreg:$0x0] =	wrdreg $0xFFFFFFFF;
	(pc) =	sbr.abs _section_cstart, $3  }
0xc1: {  	[dreg:$0x1] =	wrdreg $0xFFFFFFFF  }
0xc2: {  	_ =	task.clear_ibuf [dreg:s7], $0x2FFFF;
	_ =	strace $0x9FFFFFFF  }
0xc3: {  	(tm) =	ssettm $0x7FFFFFFF  }
tec
execute0_lowered:
.L_overlay_start_1:
0x0: {  	(tag) =	ssettag $0x1  }
0x1: {  	s0 =	rddreg [dreg:$0x0]  }
0x2: {  	s1 =	rddreg [dreg:$0x1]  }
0x3: {  	s3 =	rddreg [dreg:$0x2]  }
0x4: {  	s4 =	simm.s32 $0x0;
	s2 =	srdreg.scid;
	s13 =	stileid.u32  }
0x5: {  	s29 =	simm.s32 $0x200;
	s30 =	simm.s32 $0xC0;
	s31 =	simm.s32 $0x500  }
0x6: {  	[smem:$0x7FF] =	sst s4;
	s5 =	smul.u32 $0x4F000, s13;
	s11 =	sadd.s32 $0x128400, s3  }
0x7: {  	s28 =	simm.s32 $0x5;
	s14 =	sadd.s32 $0x12D400, s3;
	s15 =	sadd.s32 $0x132400, s3  }
0x8: {  	s2 =	sand.u32 $0x1, s2;
	s16 =	sadd.s32 $0x137400, s3;
	s20 =	smul.u32 $0x139000, s13  }
0x9: {  	p1 =	seq.s32 s13, $0xF;
	_ =	strace $0x8000004A;
	[dreg:$0x7] =	wrdreg s11  }
0xa: {  	s6 =	sshll.u32 s2, $0x4;
	s7 =	ssub.s32 $0x2, s2;
	[dreg:$0x8] =	wrdreg s14  }
0xb: {  	[dreg:$0x9] =	wrdreg s15;
	p0 =	seq.s32 s2, $0x1;
	s2 =	smul.u32 $0x27100, s2  }
0xc: {  	[dreg:$0xb] =	wrdreg s16;
	s11 =	smul.u32 $0x9C80, s13;
	s14 =	simm.s32 $0x480  }
0xd: {  	s15 =	simm.s32 $0x10;
	s16 =	simm.s32 $0x0;
	s6 =	sor.u32 s13, s6  }
0xe: {  	s5 =	sshrl.u32 s5, $0x2;
	s8 =	sshrl.u32 s7, $0x1;
	s9 =	smul.u32 $0x2710, s6  }
0xf: {  	s5 =	sadd.s32 s5, s3;
	s6 =	sadd.s32 $0x2600, s0;
	s7 =	ssub.s32 s7, s8  }
0x10: {  	s8 =	sshrl.u32 s20, $0x2;
	s26 =	sadd.s32 $0x5000, s5;
	[dreg:$0x4] =	wrdreg s5  }
0x11: {  	s10 =	sadd.s32 $0xA000, s5;
	s5 =	sadd.s32 $0xF000, s5;
	[dreg:$0x5] =	wrdreg s26  }
0x12: {  	s8 =	sadd.s32 s8, s3;
	s22 =	smax.u32 s7, $0x1;
	[dreg:$0x6] =	wrdreg s10  }
0x13: {  	s12 =	sshrl.u32 s9, $0x3;
	[dreg:$0xa] =	wrdreg s5;
	s9 =	simm.s32 $0x3D800  }
0x14: {  	s10 =	smul.u32 $0x2710, s13;
	[dreg:$0x10] =	wrdreg s22;
	s12 =	sadd.s32 s6, s12  }
0x15: {  	s9 =	simm.s32 @!p0 $0x16600;
	p0 =	sgt.u32 s13, $0x3;
	s17 =	sadd.s32 $0x9C40, s12  }
0x16: {  	s13 =	simm.s32 $0x400;
	s18 =	sadd.s32 $0x18, s12;
	[dreg:$0xc] =	wrdreg s17  }
0x17: {  	s19 =	sadd.s32 $0x9C58, s12;
	s21 =	sadd.s32 $0x4E0, s12;
	[dreg:$0xd] =	wrdreg s18  }
0x18: {  	s0 =	sadd.s32 s9, s0;
	s2 =	sadd.s32 s10, s2;
	[dreg:$0xe] =	wrdreg s19  }
0x19: {  	s9 =	simm.s32 $0x6500;
	s10 =	simm.s32 $0x4;
	[dreg:$0xf] =	wrdreg s21  }
0x1a: {  	s20 =	sadd.s32 s0, s11;
	s23 =	sadd.s32 $0x240, s2;
	s24 =	sadd.s32 $0x4E440, s2  }
0x1b: {  	s25 =	sadd.s32 $0x4E380, s2;
	s11 =	simm.s32 $0x1;
	s0 =	sshrl.u32 s23, $0x3  }
0x1c: {  	s7 =	sshrl.u32 s24, $0x3;
	s26 =	sshrl.u32 s25, $0x3;
	s23 =	sadd.s32 $0x180, s2  }
0x1d: {  	s25 =	sshrl.u32 @!p0 s8, $0x3;
	s2 =	simm.s32 $0x300;
	s8 =	simm.s32 $0x2  }
0x1e: {  	s21 =	sadd.s32 s0, s6;
	s22 =	sadd.s32 s7, s6;
	s24 =	sadd.s32 s26, s6  }
0x1f: {  	v0 =	vimm.f32 $0.0e+00;
	s26 =	sadd.s32 $0xA120, s12;
	s0 =	simm.s32 $0x100;
	s7 =	simm.s32 $0x3  }
.LBB2_1:
0x20: {  	s17 =	simm.s32 $0x0;
	s18 =	simm.s32 $0x200  }
.LBB2_2:
0x21: {  	p2 =	sne.s32 s18, $0x13E00;
	[tilespmem:s17+$0x570] =	vst v0  }
0x22: {  	[tilespmem:s17+$0x500] =	vst v0  }
0x23: {  	[tilespmem:s17+$0x510] =	vst v0  }
.Ltmp0:
0x24: {  	[tilespmem:s17+$0x520] =	vst v0;
	(pc) =	sbr.rel @p2 .LBB2_2-.Ltmp0, $4  }
0x25: {  	[tilespmem:s17+$0x530] =	vst v0  }
0x26: {  	[tilespmem:s17+$0x540] =	vst v0  }
0x27: {  	[tilespmem:s17+$0x550] =	vst v0  }
0x28: {  	[tilespmem:s17+$0x560] =	vst v0;
	s17 =	sshra.s32 s18, $0x2;
	s18 =	sadd.s32 $0x200, s18  }
0x29: {  	[tilespmem:s17+$0x570] =	vst v0  }
0x2a: {  	[tilespmem:s17+$0x500] =	vst v0  }
0x2b: {  	[tilespmem:s17+$0x510] =	vst v0  }
0x2c: {  	[tilespmem:s17+$0x520] =	vst v0  }
0x2d: {  	[tilespmem:s17+$0x530] =	vst v0  }
0x2e: {  	[tilespmem:s17+$0x540] =	vst v0  }
0x2f: {  	[tilespmem:s17+$0x550] =	vst v0  }
0x30: {  	[tilespmem:s17+$0x560] =	vst v0;
	s17 =	simm.s32 @p1 $0x500;
	s5 =	rddreg [dreg:$0x7];
	s18 =	simm.s32 @p1 $0x5  }
0x31: {  	[spmem:s5] =	stream.linear.scatter @p1 [tilespmem:s17], [sflag:$0x5], $0x5000, $0x38;
	[tilespmem:$0x1FE00] =	vst v63  }
0x32: {  	_ =	swait.ge @p1 [sflag:s18], $0x5000  }
0x33: {  	[sflag:s18] =	ssyncset.done @p1 $0x0  }
0x34: {  	s5 =	rddreg [dreg:$0x8];
	[sflag:s18] =	ssyncadd.s32 @p1 $0xFFFFB000  }
0x35: {  	[spmem:s5] =	stream.linear.scatter @p1 [tilespmem:s17], [sflag:$0x5], $0x5000, $0x38;
	[tilespmem:$0x1FE00] =	vst v63  }
0x36: {  	_ =	swait.ge @p1 [sflag:s18], $0x5000  }
0x37: {  	[sflag:s18] =	ssyncset.done @p1 $0x0  }
0x38: {  	s5 =	rddreg [dreg:$0x9];
	[sflag:s18] =	ssyncadd.s32 @p1 $0xFFFFB000  }
0x39: {  	[spmem:s5] =	stream.linear.scatter @p1 [tilespmem:s17], [sflag:$0x5], $0x5000, $0x38;
	[tilespmem:$0x1FE00] =	vst v63  }
0x3a: {  	_ =	swait.ge @p1 [sflag:s18], $0x5000  }
0x3b: {  	[sflag:s18] =	ssyncset.done @p1 $0x0  }
0x3c: {  	s5 =	rddreg [dreg:$0xb];
	[sflag:s18] =	ssyncadd.s32 @p1 $0xFFFFB000  }
0x3d: {  	[spmem:s5] =	stream.linear.scatter @p1 [tilespmem:s17], [sflag:$0x5], $0x1C00, $0x38;
	[tilespmem:$0x1FE00] =	vst v63  }
0x3e: {  	_ =	swait.ge @p1 [sflag:s18], $0x1C00  }
0x3f: {  	s17 =	simm.s32 @!p1 $0x500;
	[sflag:s18] =	ssyncset.done @p1 $0x0  }
0x40: {  	s5 =	rddreg [dreg:$0x4];
	[sflag:s18] =	ssyncadd.s32 @p1 $0xFFFFE400;
	s18 =	simm.s32 @!p1 $0x5  }
0x41: {  	[spmem:s5] =	stream.linear.scatter @!p1 [tilespmem:s17], [sflag:$0x5], $0x5000, $0x38;
	[tilespmem:$0x1FE00] =	vst v63  }
0x42: {  	_ =	swait.ge @!p1 [sflag:s18], $0x5000  }
0x43: {  	[sflag:s18] =	ssyncset.done @!p1 $0x0  }
0x44: {  	s5 =	rddreg [dreg:$0x5];
	[sflag:s18] =	ssyncadd.s32 @!p1 $0xFFFFB000  }
0x45: {  	[spmem:s5] =	stream.linear.scatter @!p1 [tilespmem:s17], [sflag:$0x5], $0x5000, $0x38;
	[tilespmem:$0x1FE00] =	vst v63  }
0x46: {  	_ =	swait.ge @!p1 [sflag:s18], $0x5000  }
0x47: {  	[sflag:s18] =	ssyncset.done @!p1 $0x0  }
0x48: {  	s5 =	rddreg [dreg:$0x6];
	[sflag:s18] =	ssyncadd.s32 @!p1 $0xFFFFB000  }
0x49: {  	[spmem:s5] =	stream.linear.scatter @!p1 [tilespmem:s17], [sflag:$0x5], $0x5000, $0x38;
	[tilespmem:$0x1FE00] =	vst v63  }
0x4a: {  	_ =	swait.ge @!p1 [sflag:s18], $0x5000  }
0x4b: {  	[sflag:s18] =	ssyncset.done @!p1 $0x0  }
0x4c: {  	s5 =	rddreg [dreg:$0xa];
	[sflag:s18] =	ssyncadd.s32 @!p1 $0xFFFFB000  }
0x4d: {  	[spmem:s5] =	stream.linear.scatter @!p1 [tilespmem:s17], [sflag:$0x5], $0x4C00, $0x38;
	[tilespmem:$0x1FE00] =	vst v63  }
0x4e: {  	_ =	swait.ge @!p1 [sflag:s18], $0x4C00  }
0x4f: {  	[sflag:s18] =	ssyncset.done @!p1 $0x0  }
0x50: {  	s17 =	simm.s32 $0x0;
	[sflag:s18] =	ssyncadd.s32 @!p1 $0xFFFFB400  }
0x51: {  	[tilespmem:s17], [sflag:$0x5] =	stream.linear.gather [hbm4b:s12+s17], $0xC0, $0x38;
	[tilespmem:$0x1FE00] =	vst v63  }
0x52: {  	_ =	swait.ge [sflag:s28], $0xC0  }
0x53: {  	[sflag:s28] =	ssyncset.done $0x0  }
0x54: {  	s19 =	rddreg [dreg:$0xc];
	[sflag:s28] =	ssyncadd.s32 $0xFFFFFF40  }
0x55: {  	[tilespmem:s29], [sflag:$0x5] =	stream.linear.gather [hbm4b:s19+s17], $0xC0, $0x38;
	[tilespmem:$0x1FE00] =	vst v63  }
0x56: {  	_ =	swait.ge [sflag:s28], $0xC0  }
0x57: {  	[sflag:s28] =	ssyncset.done $0x0  }
0x58: {  	[sflag:s28] =	ssyncadd.s32 $0xFFFFFF40  }
0x59: {  	[bflag:$0x0] =	sbarrier.arrive $0xFFFF  }
0x5a: {  	[tilespmem:s31], [sflag:$0x3] =	stream.indirect.gather [hbm4b:s1+s30], $0x80, s17, s30, $0xb8;
	[tilespmem:$0x1FE00] =	vst v63  }
0x5b: {  	s18 =	rddreg [dreg:$0xd]  }
0x5c: {  	[tilespmem:s0], [sflag:$0x2] =	stream.linear.gather [hbm4b:s18+s17], $0xC0, $0x38;
	[tilespmem:$0x1FE00] =	vst v63  }
0x5d: {  	s19 =	rddreg [dreg:$0xe]  }
0x5e: {  	[tilespmem:s2], [sflag:$0x2] =	stream.linear.gather [hbm4b:s19+s17], $0xC0, $0x38;
	[tilespmem:$0x1FE00] =	vst v63  }
0x5f: {  	_ =	swait.ge [sflag:s7], $0x6000  }
0x60: {  	[sflag:s7] =	ssyncset.done $0x0  }
0x61: {  	[sflag:s7] =	ssyncadd.s32 $0xFFFFA000  }
0x62: {  	_ =	swait.ge [sflag:s8], $0xC0  }
0x63: {  	[sflag:s8] =	ssyncset.done $0x0  }
0x64: {  	[sflag:s8] =	ssyncadd.s32 $0xFFFFFF40  }
0x65: {  	_ =	swait.ge [sflag:s8], $0xC0  }
0x66: {  	[sflag:s8] =	ssyncset.done $0x0  }
0x67: {  	[sflag:s8] =	ssyncadd.s32 $0xFFFFFF40  }
0x68: {  	[tilespmem:s9], [sflag:$0x4] =	stream.indirect.gather [hbm4b:s1+s30], $0x80, s0, s30, $0xb8;
	[tilespmem:$0x1FE00] =	vst v63  }
0x69: {  	_ = 	snop  }
0x6a: {  	[spmem:s3] =	stream.indirect.scatter.add.f32 [tilespmem:s31], [sflag:$0x5], $0x80, s29, s30, $0xb8;
	[tilespmem:$0x1FE00] =	vst v63  }
0x6b: {  	_ =	swait.ge [sflag:s28], $0x6000  }
0x6c: {  	s5 =	sshrl.u32 s23, $0x3;
	[sflag:s28] =	ssyncset.done $0x0  }
0x6d: {  	s17 =	sadd.s32 s6, s5;
	[sflag:s28] =	ssyncadd.s32 $0xFFFFA000  }
0x6e: {  	[tilespmem:s4], [sflag:$0x1] =	stream.linear.gather [hbm4b:s17+s4], $0xC0, $0x38;
	[tilespmem:$0x1FE00] =	vst v63  }
0x6f: {  	s18 =	sadd.s32 $0x0, s24  }
0x70: {  	[tilespmem:s29], [sflag:$0x1] =	stream.linear.gather [hbm4b:s18+s4], $0xC0, $0x38;
	[tilespmem:$0x1FE00] =	vst v63  }
0x71: {  	_ =	swait.ge [sflag:s10], $0x6000  }
0x72: {  	[sflag:s10] =	ssyncset.done $0x0  }
0x73: {  	[sflag:s10] =	ssyncadd.s32 $0xFFFFA000  }
0x74: {  	_ =	swait.ge [sflag:s11], $0xC0  }
0x75: {  	[sflag:s11] =	ssyncset.done $0x0  }
0x76: {  	[sflag:s11] =	ssyncadd.s32 $0xFFFFFF40  }
0x77: {  	_ =	swait.ge [sflag:s11], $0xC0  }
0x78: {  	[sflag:s11] =	ssyncset.done $0x0  }
0x79: {  	[sflag:s11] =	ssyncadd.s32 $0xFFFFFF40  }
0x7a: {  	[tilespmem:s31], [sflag:$0x3] =	stream.indirect.gather [hbm4b:s1+s30], $0x80, s4, s30, $0xb8;
	[tilespmem:$0x1FE00] =	vst v63  }
0x7b: {  	_ = 	snop  }
0x7c: {  	[spmem:s3] =	stream.indirect.scatter.add.f32 [tilespmem:s9], [sflag:$0x5], $0x80, s2, s30, $0xb8;
	[tilespmem:$0x1FE00] =	vst v63  }
0x7d: {  	_ =	swait.ge [sflag:s28], $0x6000  }
0x7e: {  	[sflag:s28] =	ssyncset.done $0x0  }
0x7f: {  	s19 =	sadd.s32 $0x0, s21;
	[sflag:s28] =	ssyncadd.s32 $0xFFFFA000  }
0x80: {  	[tilespmem:s0], [sflag:$0x2] =	stream.linear.gather [hbm4b:s19+s4], $0xC0, $0x38;
	[tilespmem:$0x1FE00] =	vst v63  }
0x81: {  	s17 =	simm.s32 $0x30;
	s18 =	sadd.s32 $0x180, s23;
	s19 =	sadd.s32 $0x0, s22  }
.LBB2_4:
0x82: {  	[tilespmem:s2], [sflag:$0x2] =	stream.linear.gather [hbm4b:s19+s4], $0xC0, $0x38;
	[tilespmem:$0x1FE00] =	vst v63  }
0x83: {  	s19 =	smov.u32 s17  }
0x84: {  	p2 =	sne.s32 s17, $0x480;
	s17 =	sadd.s32 $0x30, s17;
	_ =	swait.ge [sflag:s7], $0x6000  }
0x85: {  	[sflag:s7] =	ssyncset.done $0x0  }
0x86: {  	[sflag:s7] =	ssyncadd.s32 $0xFFFFA000  }
0x87: {  	_ =	swait.ge [sflag:s8], $0xC0  }
0x88: {  	[sflag:s8] =	ssyncset.done $0x0  }
0x89: {  	[sflag:s8] =	ssyncadd.s32 $0xFFFFFF40  }
0x8a: {  	_ =	swait.ge [sflag:s8], $0xC0  }
0x8b: {  	[sflag:s8] =	ssyncset.done $0x0  }
0x8c: {  	[sflag:s8] =	ssyncadd.s32 $0xFFFFFF40  }
0x8d: {  	[tilespmem:s9], [sflag:$0x4] =	stream.indirect.gather [hbm4b:s1+s30], $0x80, s0, s30, $0xb8;
	[tilespmem:$0x1FE00] =	vst v63  }
0x8e: {  	_ = 	snop  }
0x8f: {  	[spmem:s3] =	stream.indirect.scatter.add.f32 [tilespmem:s31], [sflag:$0x5], $0x80, s29, s30, $0xb8;
	[tilespmem:$0x1FE00] =	vst v63  }
0x90: {  	_ =	swait.ge [sflag:s28], $0x6000  }
0x91: {  	s5 =	sshrl.u32 s18, $0x3;
	[sflag:s28] =	ssyncset.done $0x0  }
0x92: {  	s5 =	sadd.s32 s6, s5;
	[sflag:s28] =	ssyncadd.s32 $0xFFFFA000  }
0x93: {  	[tilespmem:s4], [sflag:$0x1] =	stream.linear.gather [hbm4b:s5+s4], $0xC0, $0x38;
	[tilespmem:$0x1FE00] =	vst v63  }
0x94: {  	s5 =	sadd.s32 s19, s24  }
0x95: {  	[tilespmem:s29], [sflag:$0x1] =	stream.linear.gather [hbm4b:s5+s4], $0xC0, $0x38;
	[tilespmem:$0x1FE00] =	vst v63  }
0x96: {  	_ =	swait.ge [sflag:s10], $0x6000  }
0x97: {  	[sflag:s10] =	ssyncset.done $0x0  }
0x98: {  	[sflag:s10] =	ssyncadd.s32 $0xFFFFA000  }
0x99: {  	_ =	swait.ge [sflag:s11], $0xC0  }
0x9a: {  	[sflag:s11] =	ssyncset.done $0x0  }
0x9b: {  	[sflag:s11] =	ssyncadd.s32 $0xFFFFFF40  }
0x9c: {  	_ =	swait.ge [sflag:s11], $0xC0  }
0x9d: {  	[sflag:s11] =	ssyncset.done $0x0  }
0x9e: {  	[sflag:s11] =	ssyncadd.s32 $0xFFFFFF40  }
0x9f: {  	[tilespmem:s31], [sflag:$0x3] =	stream.indirect.gather [hbm4b:s1+s30], $0x80, s4, s30, $0xb8;
	[tilespmem:$0x1FE00] =	vst v63  }
0xa0: {  	_ = 	snop  }
0xa1: {  	[spmem:s3] =	stream.indirect.scatter.add.f32 [tilespmem:s9], [sflag:$0x5], $0x80, s2, s30, $0xb8;
	[tilespmem:$0x1FE00] =	vst v63  }
.Ltmp1:
0xa2: {  	_ =	swait.ge [sflag:s28], $0x6000;
	(pc) =	sbr.rel @p2 .LBB2_4-.Ltmp1, $4  }
0xa3: {  	[sflag:s28] =	ssyncset.done $0x0  }
0xa4: {  	s5 =	sadd.s32 s19, s21;
	[sflag:s28] =	ssyncadd.s32 $0xFFFFA000  }
0xa5: {  	[tilespmem:s0], [sflag:$0x2] =	stream.linear.gather [hbm4b:s5+s4], $0xC0, $0x38;
	[tilespmem:$0x1FE00] =	vst v63  }
0xa6: {  	s18 =	sadd.s32 $0x180, s18;
	s19 =	sadd.s32 s19, s22  }
0xa7: {  	[tilespmem:s2], [sflag:$0x2] =	stream.linear.gather [hbm4b:s19+s4], $0xC0, $0x38;
	[tilespmem:$0x1FE00] =	vst v63  }
0xa8: {  	_ =	swait.ge [sflag:s7], $0x6000  }
0xa9: {  	[sflag:s7] =	ssyncset.done $0x0  }
0xaa: {  	[sflag:s7] =	ssyncadd.s32 $0xFFFFA000  }
0xab: {  	_ =	swait.ge [sflag:s8], $0xC0  }
0xac: {  	[sflag:s8] =	ssyncset.done $0x0  }
0xad: {  	[sflag:s8] =	ssyncadd.s32 $0xFFFFFF40  }
0xae: {  	_ =	swait.ge [sflag:s8], $0xC0  }
0xaf: {  	[sflag:s8] =	ssyncset.done $0x0  }
0xb0: {  	[sflag:s8] =	ssyncadd.s32 $0xFFFFFF40  }
0xb1: {  	[tilespmem:s9], [sflag:$0x4] =	stream.indirect.gather [hbm4b:s1+s30], $0x80, s0, s30, $0xb8;
	[tilespmem:$0x1FE00] =	vst v63  }
0xb2: {  	_ = 	snop  }
0xb3: {  	[spmem:s3] =	stream.indirect.scatter.add.f32 [tilespmem:s31], [sflag:$0x5], $0x80, s29, s30, $0xb8;
	[tilespmem:$0x1FE00] =	vst v63  }
0xb4: {  	_ =	swait.ge [sflag:s28], $0x6000  }
0xb5: {  	[sflag:s28] =	ssyncset.done $0x0  }
0xb6: {  	[sflag:s28] =	ssyncadd.s32 $0xFFFFA000  }
0xb7: {  	_ =	swait.ge [sflag:s10], $0x6000  }
0xb8: {  	[sflag:s10] =	ssyncset.done $0x0  }
0xb9: {  	[sflag:s10] =	ssyncadd.s32 $0xFFFFA000  }
0xba: {  	[spmem:s3] =	stream.indirect.scatter.add.f32 [tilespmem:s9], [sflag:$0x5], $0x80, s2, s30, $0xb8;
	[tilespmem:$0x1FE00] =	vst v63  }
0xbb: {  	_ =	swait.ge [sflag:s28], $0x6000  }
0xbc: {  	[sflag:s28] =	ssyncset.done $0x0  }
0xbd: {  	s5 =	rddreg [dreg:$0xf];
	[sflag:s28] =	ssyncadd.s32 $0xFFFFA000  }
0xbe: {  	[tilespmem:s13], [sflag:$0x5] =	stream.linear.gather [hbm4b:s5+s4], $0x10, $0x38;
	[tilespmem:$0x1FE00] =	vst v63  }
0xbf: {  	_ =	swait.ge [sflag:s28], $0x10  }
0xc0: {  	[sflag:s28] =	ssyncset.done $0x0  }
0xc1: {  	[sflag:s28] =	ssyncadd.s32 $0xFFFFFFF0  }
0xc2: {  	[tilespmem:s14], [sflag:$0x5] =	stream.linear.gather [hbm4b:s26+s4], $0x10, $0x38;
	[tilespmem:$0x1FE00] =	vst v63  }
0xc3: {  	_ =	swait.ge [sflag:s28], $0x10  }
0xc4: {  	[sflag:s28] =	ssyncset.done $0x0  }
0xc5: {  	[sflag:s28] =	ssyncadd.s32 $0xFFFFFFF0  }
0xc6: {  	[tilespmem:s31], [sflag:$0x5] =	stream.indirect.gather [hbm4b:s1+s15], $0x80, s13, s15, $0xb8;
	[tilespmem:$0x1FE00] =	vst v63  }
0xc7: {  	_ =	swait.ge [sflag:s28], $0x800  }
0xc8: {  	[sflag:s28] =	ssyncset.done $0x0  }
0xc9: {  	[sflag:s28] =	ssyncadd.s32 $0xFFFFF800  }
0xca: {  	[spmem:s3] =	stream.indirect.scatter.add.f32 [tilespmem:s31], [sflag:$0x5], $0x80, s14, s15, $0xb8;
	[tilespmem:$0x1FE00] =	vst v63  }
0xcb: {  	_ =	swait.ge [sflag:s28], $0x800  }
0xcc: {  	s5 =	stileid.u32;
	[sflag:s28] =	ssyncset.done $0x0  }
0xcd: {  	s5 =	sshll.u32 @!p0 s5, $0x6;
	[sflag:s28] =	ssyncadd.s32 $0xFFFFF800  }
0xce: {  	s5 =	sor.u32 @!p0 $0x1C05, s5;
	[bflag:$0x0] =	sbarrier.arrive $0xFFFF  }
0xcf: {  	[hbm:s20], [sflag:s5] =	dma.local @!p0 [spmem:s25], $0x9C80  }
0xd0: {  	s5 =	simm.s32 @!p0 $0x5  }
0xd1: {  	_ =	swait.ge @!p0 [sflag:s5], $0x9C80  }
0xd2: {  	s16 =	sadd.s32 $0x1, s16;
	s17 =	rddreg [dreg:$0x10]  }
0xd3: {  	p2 =	sne.s32 s16, s17  }
.Ltmp2:
0xd4: {  	_ = 	snop;
	(pc) =	sbr.rel @p2 .LBB2_1-.Ltmp2, $3  }
0xd5: {  	_ =	sdelay $0x1  }
0xd6: {  	[sflag:s5] =	ssyncset.done @!p0 $0x0  }
0xd7: {  	[sflag:s5] =	ssyncadd.s32 @!p0 $0xFFFF6380  }
0xd8: {  	_ =	sfence.sel $0x180000  }
0xd9: {  	[bflag:$0x0] =	sbarrier.arrive $0xFFFF  }
0xda: {  	_ =	strace $0x9000004A  }
0xdb: {  	s0 =	stileid.u32;
	[bflag:$0x2] =	sbarrier.arrive $0xFFFF  }
0xdc: {  	p0 =	sne.s32 s0, $0x0;
	s0 =	rddreg [dreg:$0x3]  }
0xdd: {  	s0 =	sadd.s32 @!p0 $0x100000, s0  }
0xde: {  	[sflag:s0] =	ssyncadd.tile.s32 @!p0 $0x1;
	_ =	shalt  }
.Lfunc_end2:
_tile_overlayer_lowered:
.L_overlay_start_2:
0xdf: {  	(tag) =	ssettag $0x2  }
0xe0: {  	s0 =	rddreg [dreg:$0x0];
	s2 =	stileid.u32  }
0xe1: {  	s1 =	rddreg [dreg:$0x1];
	p0 =	sne.s32 s2, $0x0  }
0xe2: {  	s3 =	rddreg [dreg:$0x2];
	[bflag:$0x3] =	sbarrier.arrive $0xFFFF;
	s2 =	simm.s32 @!p0 $0x1C05  }
0xe3: {  	[timem:s3], [sflag:s2] =	dma.local @!p0 [hbm:s0], s1  }
0xe4: {  	s0 =	simm.s32 @!p0 $0x5  }
0xe5: {  	_ =	swait.ge @!p0 [sflag:s0], s1  }
0xe6: {  	s1 =	ssub.s32 @!p0 $0x0, s1;
	[sflag:s0] =	ssyncset.done @!p0 $0x0  }
0xe7: {  	[sflag:s0] =	ssyncadd.s32 @!p0 s1  }
0xe8: {  	[bflag:$0x3] =	sbarrier.arrive $0xFFFF  }
0xe9: {  	_ =	shalt  }

</sc_bundles>
